<compile_context>
chip_gen: v7x
topology: tpu7x:2x2x1
jax: 0.10.2.dev20260603
libtpu: 0.0.44.dev20260713+nightly
codegen_flags: <defaults>
</compile_context>

<pallas_src>
import functools

import jax
import jax.numpy as jnp
from jax import lax
from jax.experimental import pallas as pl
from jax.experimental.pallas import tpu as pltpu
from jax.experimental.pallas import tpu_sc as plsc

_N, _C, _H, _W = 64, 256, 56, 56
_ROWS = _N * _H * _W
_NC, _NS, _L = 2, 16, 16
_NW = _NC * _NS
_RPW = _ROWS // _NW
_R = 112
_NT = _RPW // _R
_CSETS = _C // _L
_UNROLL = 4


def _nz_body(mask_ref, sel_ref):
    m = mask_ref[0, :] != 0.0
    row = lax.broadcasted_iota(jnp.int32, (_C, _C), 0)
    col = lax.broadcasted_iota(jnp.int32, (_C, _C), 1)
    mcol = jnp.broadcast_to(m[None, :], (_C, _C))
    rank = jnp.sum(jnp.where(mcol & (col < row), 1, 0), axis=1)
    hit = mcol & (jnp.broadcast_to(rank[None, :], (_C, _C)) == row)
    sel_ref[0, :] = jnp.sum(jnp.where(hit, col, 0), axis=1)


_tc_nonzero = pl.pallas_call(
    _nz_body,
    out_shape=jax.ShapeDtypeStruct((1, _C), jnp.int32),
)


def _sc_body(x_hbm, sel_hbm, out_hbm, sel_v, ibuf, obuf, si0, si1, so0, so1):
    wid = lax.axis_index("s") * _NC + lax.axis_index("c")
    pltpu.sync_copy(sel_hbm, sel_v)
    sel16 = [sel_v[pl.ds(k * _L, _L)] for k in range(_CSETS)]

    base = wid * _RPW
    sis = (si0, si1)
    sos = (so0, so1)

    def _fill(t, b):
        pltpu.async_copy(x_hbm.at[pl.ds(base + t * _R, _R)],
                         ibuf.at[pl.ds(b * _R, _R)], sis[b])

    def _permute(b):
        ioff = b * _R

        def _rows(i, carry):
            r0 = ioff + i * _UNROLL
            for u in range(_UNROLL):
                row = jnp.full((_L,), r0 + u, jnp.int32)
                g = [plsc.load_gather(ibuf, [row, sel16[k]])
                     for k in range(_CSETS)]
                for k in range(_CSETS):
                    obuf[r0 + u, pl.ds(k * _L, _L)] = g[k]
            return carry

        lax.fori_loop(0, _R // _UNROLL, _rows, jnp.int32(0))

    _fill(0, 0)
    _fill(1, 1)

    def _pair(i, carry):
        for b in (0, 1):
            t = 2 * i + b
            pltpu.make_async_copy(x_hbm.at[pl.ds(0, _R)],
                                  ibuf.at[pl.ds(0, _R)], sis[b]).wait()

            @pl.when(t >= 2)
            def _():
                pltpu.make_async_copy(obuf.at[pl.ds(0, _R)],
                                      out_hbm.at[pl.ds(0, _R)], sos[b]).wait()

            _permute(b)
            pltpu.async_copy(obuf.at[pl.ds(b * _R, _R)],
                             out_hbm.at[pl.ds(base + t * _R, _R)], sos[b])

            @pl.when(t + 2 < _NT)
            def _():
                _fill(t + 2, b)
        return carry

    lax.fori_loop(0, _NT // 2, _pair, jnp.int32(0))
    for b in (0, 1):
        pltpu.make_async_copy(obuf.at[pl.ds(0, _R)],
                              out_hbm.at[pl.ds(0, _R)], sos[b]).wait()


_sc_gather = functools.partial(
    pl.kernel,
    out_type=jax.ShapeDtypeStruct((_ROWS, _C), jnp.float32),
    mesh=plsc.VectorSubcoreMesh(core_axis_name="c", subcore_axis_name="s"),
    compiler_params=pltpu.CompilerParams(use_tc_tiling_on_sc=True,
                                         needs_layout_passes=False),
    scratch_types=[
        pltpu.VMEM((_C,), jnp.int32),
        pltpu.VMEM((2 * _R, _C), jnp.float32),
        pltpu.VMEM((2 * _R, _C), jnp.float32),
        pltpu.SemaphoreType.DMA,
        pltpu.SemaphoreType.DMA,
        pltpu.SemaphoreType.DMA,
        pltpu.SemaphoreType.DMA,
    ],
)(_sc_body)


def kernel(input_tensor, indexes):
    sel = _tc_nonzero(indexes.reshape(1, _C)).reshape(_C)
    xr = input_tensor.transpose(0, 2, 3, 1).reshape(_ROWS, _C)
    outr = _sc_gather(xr, sel)
    return outr.reshape(_N, _H, _W, _C).transpose(0, 3, 1, 2)

# --- scband reference (transcript-rebuilt; emitter-appended) ---
"""Pipeline reference for scband-channel-selection-43361989821089 (READ-ONLY COPY).

The authoritative reference and input builder live on the scoring server;
editing this copy changes nothing except your own understanding.
"""

import jax, jax.numpy as jnp
import numpy as np


def setup_inputs(seed: int = 0) -> dict:
    key = jax.random.key(seed)
    kx = jax.random.fold_in(key, 0)
    input_tensor = jax.random.normal(kx, (64, 256, 56, 56), dtype=jnp.float32)
    # learned parameter: pruning mask, initialized to all ones (no channels pruned)
    indexes = jnp.ones((256,), dtype=jnp.float32)
    return {"input_tensor": input_tensor, "indexes": indexes}


def reference(input_tensor, indexes):
    # Faithful port of channel_selection.forward (pdb.set_trace omitted):
    # selected_index = np.squeeze(np.argwhere(indexes.data.cpu().numpy()))
    (selected_index,) = jnp.nonzero(indexes, size=indexes.shape[0], fill_value=0)
    selected_index = selected_index.astype(jnp.int32)
    # output = input_tensor[:, selected_index, :, :]
    output = jnp.take(input_tensor, selected_index, axis=1)
    return output

if __name__ == "__main__":
    import jax
    _d = setup_inputs()
    print(jax.jit(kernel)(*tuple(_d.values())))

</pallas_src>

<mosaic_0001>
#map = affine_map<(d0, d1) -> (0, 0)>
#map1 = affine_map<(d0, d1) -> (0)>
module attributes {stable_mosaic.version = 14 : i64} {
  func.func @_sc_body(%arg0: i32, %arg1: i32, %arg2: memref<200704x256xf32, #tpu.memory_space<hbm>>, %arg3: memref<256xi32, #tpu.memory_space<hbm>>, %arg4: memref<200704x256xf32, #tpu.memory_space<hbm>>, %arg5: memref<256xi32, #tpu.memory_space<vmem>>, %arg6: memref<224x256xf32, #tpu.memory_space<vmem>>, %arg7: memref<224x256xf32, #tpu.memory_space<vmem>>, %arg8: memref<!tpu.dma_semaphore, #tpu.memory_space<semaphore_mem>>, %arg9: memref<!tpu.dma_semaphore, #tpu.memory_space<semaphore_mem>>, %arg10: memref<!tpu.dma_semaphore, #tpu.memory_space<semaphore_mem>>, %arg11: memref<!tpu.dma_semaphore, #tpu.memory_space<semaphore_mem>>) attributes {dimension_semantics = [#tpu.dimension_semantics<core_parallel>, #tpu.dimension_semantics<subcore_parallel>], iteration_bounds = array<i64: 2, 16>, scalar_prefetch = 0 : i64, scratch_operands = 7 : i64, tpu.core_type = #tpu.core_type<sc_vector_subcore>, window_params = [{transform_indices = #map}, {transform_indices = #map1}, {transform_indices = #map}]} {
    %mul3A = arith.constant 2 : i32
    %mul3A_0 = arith.muli %arg1, %mul3A : i32
    %add3A = arith.addi %mul3A_0, %arg0 : i32
    "tpu.region"() ({
      %run_scoped3A = tpu.sem_alloc : memref<!tpu.dma_semaphore, #tpu.memory_space<semaphore_mem>>
      tpu.enqueue_dma source(%arg3 : memref<256xi32, #tpu.memory_space<hbm>>) target(%arg5 : memref<256xi32, #tpu.memory_space<vmem>>) target_semaphore(%run_scoped3A : memref<!tpu.dma_semaphore, #tpu.memory_space<semaphore_mem>>)
      tpu.wait_dma2 semaphore(%run_scoped3A : memref<!tpu.dma_semaphore, #tpu.memory_space<semaphore_mem>>) src(%arg3 : memref<256xi32, #tpu.memory_space<hbm>>) dst(%arg5 : memref<256xi32, #tpu.memory_space<vmem>>)
      tpu.yield
    }) : () -> ()
    %get3A = arith.constant 0 : index
    %get3A_1 = tpu.vector_load %arg5[%get3A] {strides = array<i32>} : memref<256xi32, #tpu.memory_space<vmem>>, vector<16xi32>,
    %get3A_2 = arith.constant 16 : index
    %get3A_3 = tpu.vector_load %arg5[%get3A_2] {strides = array<i32>} : memref<256xi32, #tpu.memory_space<vmem>>, vector<16xi32>,
    %get3A_4 = arith.constant 32 : index
    %get3A_5 = tpu.vector_load %arg5[%get3A_4] {strides = array<i32>} : memref<256xi32, #tpu.memory_space<vmem>>, vector<16xi32>,
    %get3A_6 = arith.constant 48 : index
    %get3A_7 = tpu.vector_load %arg5[%get3A_6] {strides = array<i32>} : memref<256xi32, #tpu.memory_space<vmem>>, vector<16xi32>,
    %get3A_8 = arith.constant 64 : index
    %get3A_9 = tpu.vector_load %arg5[%get3A_8] {strides = array<i32>} : memref<256xi32, #tpu.memory_space<vmem>>, vector<16xi32>,
    %get3A_10 = arith.constant 80 : index
    %get3A_11 = tpu.vector_load %arg5[%get3A_10] {strides = array<i32>} : memref<256xi32, #tpu.memory_space<vmem>>, vector<16xi32>,
    %get3A_12 = arith.constant 96 : index
    %get3A_13 = tpu.vector_load %arg5[%get3A_12] {strides = array<i32>} : memref<256xi32, #tpu.memory_space<vmem>>, vector<16xi32>,
    %get3A_14 = arith.constant 112 : index
    %get3A_15 = tpu.vector_load %arg5[%get3A_14] {strides = array<i32>} : memref<256xi32, #tpu.memory_space<vmem>>, vector<16xi32>,
    %get3A_16 = arith.constant 128 : index
    %get3A_17 = tpu.vector_load %arg5[%get3A_16] {strides = array<i32>} : memref<256xi32, #tpu.memory_space<vmem>>, vector<16xi32>,
    %get3A_18 = arith.constant 144 : index
    %get3A_19 = tpu.vector_load %arg5[%get3A_18] {strides = array<i32>} : memref<256xi32, #tpu.memory_space<vmem>>, vector<16xi32>,
    %get3A_20 = arith.constant 160 : index
    %get3A_21 = tpu.vector_load %arg5[%get3A_20] {strides = array<i32>} : memref<256xi32, #tpu.memory_space<vmem>>, vector<16xi32>,
    %get3A_22 = arith.constant 176 : index
    %get3A_23 = tpu.vector_load %arg5[%get3A_22] {strides = array<i32>} : memref<256xi32, #tpu.memory_space<vmem>>, vector<16xi32>,
    %get3A_24 = arith.constant 192 : index
    %get3A_25 = tpu.vector_load %arg5[%get3A_24] {strides = array<i32>} : memref<256xi32, #tpu.memory_space<vmem>>, vector<16xi32>,
    %get3A_26 = arith.constant 208 : index
    %get3A_27 = tpu.vector_load %arg5[%get3A_26] {strides = array<i32>} : memref<256xi32, #tpu.memory_space<vmem>>, vector<16xi32>,
    %get3A_28 = arith.constant 224 : index
    %get3A_29 = tpu.vector_load %arg5[%get3A_28] {strides = array<i32>} : memref<256xi32, #tpu.memory_space<vmem>>, vector<16xi32>,
    %get3A_30 = arith.constant 240 : index
    %get3A_31 = tpu.vector_load %arg5[%get3A_30] {strides = array<i32>} : memref<256xi32, #tpu.memory_space<vmem>>, vector<16xi32>,
    %mul3A_32 = arith.constant 6272 : i32
    %mul3A_33 = arith.muli %add3A, %mul3A_32 : i32
    %add3A_34 = arith.constant 0 : i32
    %add3A_35 = arith.addi %mul3A_33, %add3A_34 : i32
    %dma_start3A = arith.constant 0 : i32
    %dma_start3A_36 = arith.constant 0 : i32
    %dma_start3A_37 = tpu.memref_slice %arg6[%dma_start3A, %dma_start3A_36] : memref<224x256xf32, #tpu.memory_space<vmem>> -> memref<112x256xf32, #tpu.memory_space<vmem>>
    %dma_start3A_38 = arith.constant 0 : i32
    %dma_start3A_39 = tpu.memref_slice %arg2[%add3A_35, %dma_start3A_38] : memref<200704x256xf32, #tpu.memory_space<hbm>> -> memref<112x256xf32, #tpu.memory_space<hbm>>
    %dma_start3A_40 = arith.constant 0 : i32
    %dma_start3A_41 = arith.constant 0 : i32
    %dma_start3A_42 = tpu.memref_slice %arg6[%dma_start3A_40, %dma_start3A_41] : memref<224x256xf32, #tpu.memory_space<vmem>> -> memref<112x256xf32, #tpu.memory_space<vmem>>
    %dma_start3A_43 = arith.constant 0 : i32
    %dma_start3A_44 = tpu.memref_slice %arg2[%add3A_35, %dma_start3A_43] : memref<200704x256xf32, #tpu.memory_space<hbm>> -> memref<112x256xf32, #tpu.memory_space<hbm>>
    tpu.enqueue_dma source(%dma_start3A_44 : memref<112x256xf32, #tpu.memory_space<hbm>>) target(%dma_start3A_42 : memref<112x256xf32, #tpu.memory_space<vmem>>) target_semaphore(%arg8 : memref<!tpu.dma_semaphore, #tpu.memory_space<semaphore_mem>>)
    %add3A_45 = arith.constant 112 : i32
    %add3A_46 = arith.addi %mul3A_33, %add3A_45 : i32
    %dma_start3A_47 = arith.constant 112 : i32
    %dma_start3A_48 = arith.constant 0 : i32
    %dma_start3A_49 = tpu.memref_slice %arg6[%dma_start3A_47, %dma_start3A_48] : memref<224x256xf32, #tpu.memory_space<vmem>> -> memref<112x256xf32, #tpu.memory_space<vmem>>
    %dma_start3A_50 = arith.constant 0 : i32
    %dma_start3A_51 = tpu.memref_slice %arg2[%add3A_46, %dma_start3A_50] : memref<200704x256xf32, #tpu.memory_space<hbm>> -> memref<112x256xf32, #tpu.memory_space<hbm>>
    %dma_start3A_52 = arith.constant 112 : i32
    %dma_start3A_53 = arith.constant 0 : i32
    %dma_start3A_54 = tpu.memref_slice %arg6[%dma_start3A_52, %dma_start3A_53] : memref<224x256xf32, #tpu.memory_space<vmem>> -> memref<112x256xf32, #tpu.memory_space<vmem>>
    %dma_start3A_55 = arith.constant 0 : i32
    %dma_start3A_56 = tpu.memref_slice %arg2[%add3A_46, %dma_start3A_55] : memref<200704x256xf32, #tpu.memory_space<hbm>> -> memref<112x256xf32, #tpu.memory_space<hbm>>
    tpu.enqueue_dma source(%dma_start3A_56 : memref<112x256xf32, #tpu.memory_space<hbm>>) target(%dma_start3A_54 : memref<112x256xf32, #tpu.memory_space<vmem>>) target_semaphore(%arg9 : memref<!tpu.dma_semaphore, #tpu.memory_space<semaphore_mem>>)
    %scan3A = arith.constant 0 : i32
    %scan3A_57 = arith.constant 0 : i32
    %scan3A_58 = arith.constant 28 : i32
    %scan3A_59 = arith.addi %scan3A_57, %scan3A_58 : i32
    %scan3A_60 = arith.constant 1 : i32
    scf.for %scan3A_85 = %scan3A_57 to %scan3A_59 step %scan3A_60  : i32 {
      %mul3A_86 = arith.constant 2 : i32
      %mul3A_87 = arith.muli %mul3A_86, %scan3A_85 : i32
      %add3A_88 = arith.constant 0 : i32
      %add3A_89 = arith.addi %mul3A_87, %add3A_88 : i32
      %dma_wait3A_90 = arith.constant 0 : i32
      %dma_wait3A_91 = arith.constant 0 : i32
      %dma_wait3A_92 = tpu.memref_slice %arg6[%dma_wait3A_90, %dma_wait3A_91] : memref<224x256xf32, #tpu.memory_space<vmem>> -> memref<112x256xf32, #tpu.memory_space<vmem>>
      %dma_wait3A_93 = arith.constant 0 : i32
      %dma_wait3A_94 = arith.constant 0 : i32
      %dma_wait3A_95 = tpu.memref_slice %arg2[%dma_wait3A_93, %dma_wait3A_94] : memref<200704x256xf32, #tpu.memory_space<hbm>> -> memref<112x256xf32, #tpu.memory_space<hbm>>
      %dma_wait3A_96 = arith.constant 0 : i32
      %dma_wait3A_97 = arith.constant 0 : i32
      %dma_wait3A_98 = tpu.memref_slice %arg6[%dma_wait3A_96, %dma_wait3A_97] : memref<224x256xf32, #tpu.memory_space<vmem>> -> memref<112x256xf32, #tpu.memory_space<vmem>>
      %dma_wait3A_99 = arith.constant 0 : i32
      %dma_wait3A_100 = arith.constant 0 : i32
      %dma_wait3A_101 = tpu.memref_slice %arg2[%dma_wait3A_99, %dma_wait3A_100] : memref<200704x256xf32, #tpu.memory_space<hbm>> -> memref<112x256xf32, #tpu.memory_space<hbm>>
      tpu.wait_dma2 semaphore(%arg8 : memref<!tpu.dma_semaphore, #tpu.memory_space<semaphore_mem>>) src(%dma_wait3A_101 : memref<112x256xf32, #tpu.memory_space<hbm>>) dst(%dma_wait3A_98 : memref<112x256xf32, #tpu.memory_space<vmem>>)
      %ge3A = arith.constant 2 : i32
      %ge3A_102 = arith.cmpi sge, %add3A_89, %ge3A : i32
      %convert_element_type3A = arith.extui %ge3A_102 : i1 to i32
      %cond3A = arith.constant 0 : i32
      %cond3A_103 = arith.cmpi ne, %convert_element_type3A, %cond3A : i32
      scf.if %cond3A_103 {
        %dma_wait3A_176 = arith.constant 0 : i32
        %dma_wait3A_177 = arith.constant 0 : i32
        %dma_wait3A_178 = tpu.memref_slice %arg7[%dma_wait3A_176, %dma_wait3A_177] : memref<224x256xf32, #tpu.memory_space<vmem>> -> memref<112x256xf32, #tpu.memory_space<vmem>>
        %dma_wait3A_179 = arith.constant 0 : i32
        %dma_wait3A_180 = arith.constant 0 : i32
        %dma_wait3A_181 = tpu.memref_slice %arg4[%dma_wait3A_179, %dma_wait3A_180] : memref<200704x256xf32, #tpu.memory_space<hbm>> -> memref<112x256xf32, #tpu.memory_space<hbm>>
        %dma_wait3A_182 = arith.constant 0 : i32
        %dma_wait3A_183 = arith.constant 0 : i32
        %dma_wait3A_184 = tpu.memref_slice %arg4[%dma_wait3A_182, %dma_wait3A_183] : memref<200704x256xf32, #tpu.memory_space<hbm>> -> memref<112x256xf32, #tpu.memory_space<hbm>>
        %dma_wait3A_185 = arith.constant 0 : i32
        %dma_wait3A_186 = arith.constant 0 : i32
        %dma_wait3A_187 = tpu.memref_slice %arg7[%dma_wait3A_185, %dma_wait3A_186] : memref<224x256xf32, #tpu.memory_space<vmem>> -> memref<112x256xf32, #tpu.memory_space<vmem>>
        tpu.wait_dma2 semaphore(%arg10 : memref<!tpu.dma_semaphore, #tpu.memory_space<semaphore_mem>>) src(%dma_wait3A_187 : memref<112x256xf32, #tpu.memory_space<vmem>>) dst(%dma_wait3A_184 : memref<112x256xf32, #tpu.memory_space<hbm>>)
      } else {
      }
      %scan3A_104 = arith.constant 0 : i32
      %scan3A_105 = arith.constant 0 : i32
      %scan3A_106 = arith.constant 28 : i32
      %scan3A_107 = arith.addi %scan3A_105, %scan3A_106 : i32
      %scan3A_108 = arith.constant 1 : i32
      scf.for %scan3A_176 = %scan3A_105 to %scan3A_107 step %scan3A_108  : i32 {
        %mul3A_177 = arith.constant 4 : i32
        %mul3A_178 = arith.muli %scan3A_176, %mul3A_177 : i32
        %add3A_179 = arith.constant 0 : i32
        %add3A_180 = arith.addi %add3A_179, %mul3A_178 : i32
        %add3A_181 = arith.constant 0 : i32
        %add3A_182 = arith.addi %add3A_180, %add3A_181 : i32
        %broadcast_in_dim3A = vector.broadcast %add3A_182 : i32 to vector<16xi32>
        %gather3A = tpu.vector_load_idx %arg6[%broadcast_in_dim3A, %get3A_1] : memref<224x256xf32, #tpu.memory_space<vmem>>[vector<16xi32>, vector<16xi32>], vector<16xf32>,
        %gather3A_183 = tpu.vector_load_idx %arg6[%broadcast_in_dim3A, %get3A_3] : memref<224x256xf32, #tpu.memory_space<vmem>>[vector<16xi32>, vector<16xi32>], vector<16xf32>,
        %gather3A_184 = tpu.vector_load_idx %arg6[%broadcast_in_dim3A, %get3A_5] : memref<224x256xf32, #tpu.memory_space<vmem>>[vector<16xi32>, vector<16xi32>], vector<16xf32>,
        %gather3A_185 = tpu.vector_load_idx %arg6[%broadcast_in_dim3A, %get3A_7] : memref<224x256xf32, #tpu.memory_space<vmem>>[vector<16xi32>, vector<16xi32>], vector<16xf32>,
        %gather3A_186 = tpu.vector_load_idx %arg6[%broadcast_in_dim3A, %get3A_9] : memref<224x256xf32, #tpu.memory_space<vmem>>[vector<16xi32>, vector<16xi32>], vector<16xf32>,
        %gather3A_187 = tpu.vector_load_idx %arg6[%broadcast_in_dim3A, %get3A_11] : memref<224x256xf32, #tpu.memory_space<vmem>>[vector<16xi32>, vector<16xi32>], vector<16xf32>,
        %gather3A_188 = tpu.vector_load_idx %arg6[%broadcast_in_dim3A, %get3A_13] : memref<224x256xf32, #tpu.memory_space<vmem>>[vector<16xi32>, vector<16xi32>], vector<16xf32>,
        %gather3A_189 = tpu.vector_load_idx %arg6[%broadcast_in_dim3A, %get3A_15] : memref<224x256xf32, #tpu.memory_space<vmem>>[vector<16xi32>, vector<16xi32>], vector<16xf32>,
        %gather3A_190 = tpu.vector_load_idx %arg6[%broadcast_in_dim3A, %get3A_17] : memref<224x256xf32, #tpu.memory_space<vmem>>[vector<16xi32>, vector<16xi32>], vector<16xf32>,
        %gather3A_191 = tpu.vector_load_idx %arg6[%broadcast_in_dim3A, %get3A_19] : memref<224x256xf32, #tpu.memory_space<vmem>>[vector<16xi32>, vector<16xi32>], vector<16xf32>,
        %gather3A_192 = tpu.vector_load_idx %arg6[%broadcast_in_dim3A, %get3A_21] : memref<224x256xf32, #tpu.memory_space<vmem>>[vector<16xi32>, vector<16xi32>], vector<16xf32>,
        %gather3A_193 = tpu.vector_load_idx %arg6[%broadcast_in_dim3A, %get3A_23] : memref<224x256xf32, #tpu.memory_space<vmem>>[vector<16xi32>, vector<16xi32>], vector<16xf32>,
        %gather3A_194 = tpu.vector_load_idx %arg6[%broadcast_in_dim3A, %get3A_25] : memref<224x256xf32, #tpu.memory_space<vmem>>[vector<16xi32>, vector<16xi32>], vector<16xf32>,
        %gather3A_195 = tpu.vector_load_idx %arg6[%broadcast_in_dim3A, %get3A_27] : memref<224x256xf32, #tpu.memory_space<vmem>>[vector<16xi32>, vector<16xi32>], vector<16xf32>,
        %gather3A_196 = tpu.vector_load_idx %arg6[%broadcast_in_dim3A, %get3A_29] : memref<224x256xf32, #tpu.memory_space<vmem>>[vector<16xi32>, vector<16xi32>], vector<16xf32>,
        %gather3A_197 = tpu.vector_load_idx %arg6[%broadcast_in_dim3A, %get3A_31] : memref<224x256xf32, #tpu.memory_space<vmem>>[vector<16xi32>, vector<16xi32>], vector<16xf32>,
        %add3A_198 = arith.constant 0 : i32
        %add3A_199 = arith.addi %add3A_180, %add3A_198 : i32
        %swap3A = arith.index_cast %add3A_199 : i32 to index
        %swap3A_200 = arith.constant 0 : index
        %swap3A_201 = tpu.vector_load %arg7[%swap3A, %swap3A_200] {strides = array<i32>} : memref<224x256xf32, #tpu.memory_space<vmem>>, vector<16xf32>,
        tpu.vector_store %arg7[%swap3A, %swap3A_200], %gather3A {strides = array<i32>} : memref<224x256xf32, #tpu.memory_space<vmem>>, vector<16xf32>,
        %add3A_202 = arith.constant 0 : i32
        %add3A_203 = arith.addi %add3A_180, %add3A_202 : i32
        %swap3A_204 = arith.index_cast %add3A_203 : i32 to index
        %swap3A_205 = arith.constant 16 : index
        %swap3A_206 = tpu.vector_load %arg7[%swap3A_204, %swap3A_205] {strides = array<i32>} : memref<224x256xf32, #tpu.memory_space<vmem>>, vector<16xf32>,
        tpu.vector_store %arg7[%swap3A_204, %swap3A_205], %gather3A_183 {strides = array<i32>} : memref<224x256xf32, #tpu.memory_space<vmem>>, vector<16xf32>,
        %add3A_207 = arith.constant 0 : i32
        %add3A_208 = arith.addi %add3A_180, %add3A_207 : i32
        %swap3A_209 = arith.index_cast %add3A_208 : i32 to index
        %swap3A_210 = arith.constant 32 : index
        %swap3A_211 = tpu.vector_load %arg7[%swap3A_209, %swap3A_210] {strides = array<i32>} : memref<224x256xf32, #tpu.memory_space<vmem>>, vector<16xf32>,
        tpu.vector_store %arg7[%swap3A_209, %swap3A_210], %gather3A_184 {strides = array<i32>} : memref<224x256xf32, #tpu.memory_space<vmem>>, vector<16xf32>,
        %add3A_212 = arith.constant 0 : i32
        %add3A_213 = arith.addi %add3A_180, %add3A_212 : i32
        %swap3A_214 = arith.index_cast %add3A_213 : i32 to index
        %swap3A_215 = arith.constant 48 : index
        %swap3A_216 = tpu.vector_load %arg7[%swap3A_214, %swap3A_215] {strides = array<i32>} : memref<224x256xf32, #tpu.memory_space<vmem>>, vector<16xf32>,
        tpu.vector_store %arg7[%swap3A_214, %swap3A_215], %gather3A_185 {strides = array<i32>} : memref<224x256xf32, #tpu.memory_space<vmem>>, vector<16xf32>,
        %add3A_217 = arith.constant 0 : i32
        %add3A_218 = arith.addi %add3A_180, %add3A_217 : i32
        %swap3A_219 = arith.index_cast %add3A_218 : i32 to index
        %swap3A_220 = arith.constant 64 : index
        %swap3A_221 = tpu.vector_load %arg7[%swap3A_219, %swap3A_220] {strides = array<i32>} : memref<224x256xf32, #tpu.memory_space<vmem>>, vector<16xf32>,
        tpu.vector_store %arg7[%swap3A_219, %swap3A_220], %gather3A_186 {strides = array<i32>} : memref<224x256xf32, #tpu.memory_space<vmem>>, vector<16xf32>,
        %add3A_222 = arith.constant 0 : i32
        %add3A_223 = arith.addi %add3A_180, %add3A_222 : i32
        %swap3A_224 = arith.index_cast %add3A_223 : i32 to index
        %swap3A_225 = arith.constant 80 : index
        %swap3A_226 = tpu.vector_load %arg7[%swap3A_224, %swap3A_225] {strides = array<i32>} : memref<224x256xf32, #tpu.memory_space<vmem>>, vector<16xf32>,
        tpu.vector_store %arg7[%swap3A_224, %swap3A_225], %gather3A_187 {strides = array<i32>} : memref<224x256xf32, #tpu.memory_space<vmem>>, vector<16xf32>,
        %add3A_227 = arith.constant 0 : i32
        %add3A_228 = arith.addi %add3A_180, %add3A_227 : i32
        %swap3A_229 = arith.index_cast %add3A_228 : i32 to index
        %swap3A_230 = arith.constant 96 : index
        %swap3A_231 = tpu.vector_load %arg7[%swap3A_229, %swap3A_230] {strides = array<i32>} : memref<224x256xf32, #tpu.memory_space<vmem>>, vector<16xf32>,
        tpu.vector_store %arg7[%swap3A_229, %swap3A_230], %gather3A_188 {strides = array<i32>} : memref<224x256xf32, #tpu.memory_space<vmem>>, vector<16xf32>,
        %add3A_232 = arith.constant 0 : i32
        %add3A_233 = arith.addi %add3A_180, %add3A_232 : i32
        %swap3A_234 = arith.index_cast %add3A_233 : i32 to index
        %swap3A_235 = arith.constant 112 : index
        %swap3A_236 = tpu.vector_load %arg7[%swap3A_234, %swap3A_235] {strides = array<i32>} : memref<224x256xf32, #tpu.memory_space<vmem>>, vector<16xf32>,
        tpu.vector_store %arg7[%swap3A_234, %swap3A_235], %gather3A_189 {strides = array<i32>} : memref<224x256xf32, #tpu.memory_space<vmem>>, vector<16xf32>,
        %add3A_237 = arith.constant 0 : i32
        %add3A_238 = arith.addi %add3A_180, %add3A_237 : i32
        %swap3A_239 = arith.index_cast %add3A_238 : i32 to index
        %swap3A_240 = arith.constant 128 : index
        %swap3A_241 = tpu.vector_load %arg7[%swap3A_239, %swap3A_240] {strides = array<i32>} : memref<224x256xf32, #tpu.memory_space<vmem>>, vector<16xf32>,
        tpu.vector_store %arg7[%swap3A_239, %swap3A_240], %gather3A_190 {strides = array<i32>} : memref<224x256xf32, #tpu.memory_space<vmem>>, vector<16xf32>,
        %add3A_242 = arith.constant 0 : i32
        %add3A_243 = arith.addi %add3A_180, %add3A_242 : i32
        %swap3A_244 = arith.index_cast %add3A_243 : i32 to index
        %swap3A_245 = arith.constant 144 : index
        %swap3A_246 = tpu.vector_load %arg7[%swap3A_244, %swap3A_245] {strides = array<i32>} : memref<224x256xf32, #tpu.memory_space<vmem>>, vector<16xf32>,
        tpu.vector_store %arg7[%swap3A_244, %swap3A_245], %gather3A_191 {strides = array<i32>} : memref<224x256xf32, #tpu.memory_space<vmem>>, vector<16xf32>,
        %add3A_247 = arith.constant 0 : i32
        %add3A_248 = arith.addi %add3A_180, %add3A_247 : i32
        %swap3A_249 = arith.index_cast %add3A_248 : i32 to index
        %swap3A_250 = arith.constant 160 : index
        %swap3A_251 = tpu.vector_load %arg7[%swap3A_249, %swap3A_250] {strides = array<i32>} : memref<224x256xf32, #tpu.memory_space<vmem>>, vector<16xf32>,
        tpu.vector_store %arg7[%swap3A_249, %swap3A_250], %gather3A_192 {strides = array<i32>} : memref<224x256xf32, #tpu.memory_space<vmem>>, vector<16xf32>,
        %add3A_252 = arith.constant 0 : i32
        %add3A_253 = arith.addi %add3A_180, %add3A_252 : i32
        %swap3A_254 = arith.index_cast %add3A_253 : i32 to index
        %swap3A_255 = arith.constant 176 : index
        %swap3A_256 = tpu.vector_load %arg7[%swap3A_254, %swap3A_255] {strides = array<i32>} : memref<224x256xf32, #tpu.memory_space<vmem>>, vector<16xf32>,
        tpu.vector_store %arg7[%swap3A_254, %swap3A_255], %gather3A_193 {strides = array<i32>} : memref<224x256xf32, #tpu.memory_space<vmem>>, vector<16xf32>,
        %add3A_257 = arith.constant 0 : i32
        %add3A_258 = arith.addi %add3A_180, %add3A_257 : i32
        %swap3A_259 = arith.index_cast %add3A_258 : i32 to index
        %swap3A_260 = arith.constant 192 : index
        %swap3A_261 = tpu.vector_load %arg7[%swap3A_259, %swap3A_260] {strides = array<i32>} : memref<224x256xf32, #tpu.memory_space<vmem>>, vector<16xf32>,
        tpu.vector_store %arg7[%swap3A_259, %swap3A_260], %gather3A_194 {strides = array<i32>} : memref<224x256xf32, #tpu.memory_space<vmem>>, vector<16xf32>,
        %add3A_262 = arith.constant 0 : i32
        %add3A_263 = arith.addi %add3A_180, %add3A_262 : i32
        %swap3A_264 = arith.index_cast %add3A_263 : i32 to index
        %swap3A_265 = arith.constant 208 : index
        %swap3A_266 = tpu.vector_load %arg7[%swap3A_264, %swap3A_265] {strides = array<i32>} : memref<224x256xf32, #tpu.memory_space<vmem>>, vector<16xf32>,
        tpu.vector_store %arg7[%swap3A_264, %swap3A_265], %gather3A_195 {strides = array<i32>} : memref<224x256xf32, #tpu.memory_space<vmem>>, vector<16xf32>,
        %add3A_267 = arith.constant 0 : i32
        %add3A_268 = arith.addi %add3A_180, %add3A_267 : i32
        %swap3A_269 = arith.index_cast %add3A_268 : i32 to index
        %swap3A_270 = arith.constant 224 : index
        %swap3A_271 = tpu.vector_load %arg7[%swap3A_269, %swap3A_270] {strides = array<i32>} : memref<224x256xf32, #tpu.memory_space<vmem>>, vector<16xf32>,
        tpu.vector_store %arg7[%swap3A_269, %swap3A_270], %gather3A_196 {strides = array<i32>} : memref<224x256xf32, #tpu.memory_space<vmem>>, vector<16xf32>,
        %add3A_272 = arith.constant 0 : i32
        %add3A_273 = arith.addi %add3A_180, %add3A_272 : i32
        %swap3A_274 = arith.index_cast %add3A_273 : i32 to index
        %swap3A_275 = arith.constant 240 : index
        %swap3A_276 = tpu.vector_load %arg7[%swap3A_274, %swap3A_275] {strides = array<i32>} : memref<224x256xf32, #tpu.memory_space<vmem>>, vector<16xf32>,
        tpu.vector_store %arg7[%swap3A_274, %swap3A_275], %gather3A_197 {strides = array<i32>} : memref<224x256xf32, #tpu.memory_space<vmem>>, vector<16xf32>,
        %add3A_277 = arith.constant 1 : i32
        %add3A_278 = arith.addi %add3A_180, %add3A_277 : i32
        %broadcast_in_dim3A_279 = vector.broadcast %add3A_278 : i32 to vector<16xi32>
        %gather3A_280 = tpu.vector_load_idx %arg6[%broadcast_in_dim3A_279, %get3A_1] : memref<224x256xf32, #tpu.memory_space<vmem>>[vector<16xi32>, vector<16xi32>], vector<16xf32>,
        %gather3A_281 = tpu.vector_load_idx %arg6[%broadcast_in_dim3A_279, %get3A_3] : memref<224x256xf32, #tpu.memory_space<vmem>>[vector<16xi32>, vector<16xi32>], vector<16xf32>,
        %gather3A_282 = tpu.vector_load_idx %arg6[%broadcast_in_dim3A_279, %get3A_5] : memref<224x256xf32, #tpu.memory_space<vmem>>[vector<16xi32>, vector<16xi32>], vector<16xf32>,
        %gather3A_283 = tpu.vector_load_idx %arg6[%broadcast_in_dim3A_279, %get3A_7] : memref<224x256xf32, #tpu.memory_space<vmem>>[vector<16xi32>, vector<16xi32>], vector<16xf32>,
        %gather3A_284 = tpu.vector_load_idx %arg6[%broadcast_in_dim3A_279, %get3A_9] : memref<224x256xf32, #tpu.memory_space<vmem>>[vector<16xi32>, vector<16xi32>], vector<16xf32>,
        %gather3A_285 = tpu.vector_load_idx %arg6[%broadcast_in_dim3A_279, %get3A_11] : memref<224x256xf32, #tpu.memory_space<vmem>>[vector<16xi32>, vector<16xi32>], vector<16xf32>,
        %gather3A_286 = tpu.vector_load_idx %arg6[%broadcast_in_dim3A_279, %get3A_13] : memref<224x256xf32, #tpu.memory_space<vmem>>[vector<16xi32>, vector<16xi32>], vector<16xf32>,
        %gather3A_287 = tpu.vector_load_idx %arg6[%broadcast_in_dim3A_279, %get3A_15] : memref<224x256xf32, #tpu.memory_space<vmem>>[vector<16xi32>, vector<16xi32>], vector<16xf32>,
        %gather3A_288 = tpu.vector_load_idx %arg6[%broadcast_in_dim3A_279, %get3A_17] : memref<224x256xf32, #tpu.memory_space<vmem>>[vector<16xi32>, vector<16xi32>], vector<16xf32>,
        %gather3A_289 = tpu.vector_load_idx %arg6[%broadcast_in_dim3A_279, %get3A_19] : memref<224x256xf32, #tpu.memory_space<vmem>>[vector<16xi32>, vector<16xi32>], vector<16xf32>,
        %gather3A_290 = tpu.vector_load_idx %arg6[%broadcast_in_dim3A_279, %get3A_21] : memref<224x256xf32, #tpu.memory_space<vmem>>[vector<16xi32>, vector<16xi32>], vector<16xf32>,
        %gather3A_291 = tpu.vector_load_idx %arg6[%broadcast_in_dim3A_279, %get3A_23] : memref<224x256xf32, #tpu.memory_space<vmem>>[vector<16xi32>, vector<16xi32>], vector<16xf32>,
        %gather3A_292 = tpu.vector_load_idx %arg6[%broadcast_in_dim3A_279, %get3A_25] : memref<224x256xf32, #tpu.memory_space<vmem>>[vector<16xi32>, vector<16xi32>], vector<16xf32>,
        %gather3A_293 = tpu.vector_load_idx %arg6[%broadcast_in_dim3A_279, %get3A_27] : memref<224x256xf32, #tpu.memory_space<vmem>>[vector<16xi32>, vector<16xi32>], vector<16xf32>,
        %gather3A_294 = tpu.vector_load_idx %arg6[%broadcast_in_dim3A_279, %get3A_29] : memref<224x256xf32, #tpu.memory_space<vmem>>[vector<16xi32>, vector<16xi32>], vector<16xf32>,
        %gather3A_295 = tpu.vector_load_idx %arg6[%broadcast_in_dim3A_279, %get3A_31] : memref<224x256xf32, #tpu.memory_space<vmem>>[vector<16xi32>, vector<16xi32>], vector<16xf32>,
        %add3A_296 = arith.constant 1 : i32
        %add3A_297 = arith.addi %add3A_180, %add3A_296 : i32
        %swap3A_298 = arith.index_cast %add3A_297 : i32 to index
        %swap3A_299 = arith.constant 0 : index
        %swap3A_300 = tpu.vector_load %arg7[%swap3A_298, %swap3A_299] {strides = array<i32>} : memref<224x256xf32, #tpu.memory_space<vmem>>, vector<16xf32>,
        tpu.vector_store %arg7[%swap3A_298, %swap3A_299], %gather3A_280 {strides = array<i32>} : memref<224x256xf32, #tpu.memory_space<vmem>>, vector<16xf32>,
        %add3A_301 = arith.constant 1 : i32
        %add3A_302 = arith.addi %add3A_180, %add3A_301 : i32
        %swap3A_303 = arith.index_cast %add3A_302 : i32 to index
        %swap3A_304 = arith.constant 16 : index
        %swap3A_305 = tpu.vector_load %arg7[%swap3A_303, %swap3A_304] {strides = array<i32>} : memref<224x256xf32, #tpu.memory_space<vmem>>, vector<16xf32>,
        tpu.vector_store %arg7[%swap3A_303, %swap3A_304], %gather3A_281 {strides = array<i32>} : memref<224x256xf32, #tpu.memory_space<vmem>>, vector<16xf32>,
        %add3A_306 = arith.constant 1 : i32
        %add3A_307 = arith.addi %add3A_180, %add3A_306 : i32
        %swap3A_308 = arith.index_cast %add3A_307 : i32 to index
        %swap3A_309 = arith.constant 32 : index
        %swap3A_310 = tpu.vector_load %arg7[%swap3A_308, %swap3A_309] {strides = array<i32>} : memref<224x256xf32, #tpu.memory_space<vmem>>, vector<16xf32>,
        tpu.vector_store %arg7[%swap3A_308, %swap3A_309], %gather3A_282 {strides = array<i32>} : memref<224x256xf32, #tpu.memory_space<vmem>>, vector<16xf32>,
        %add3A_311 = arith.constant 1 : i32
        %add3A_312 = arith.addi %add3A_180, %add3A_311 : i32
        %swap3A_313 = arith.index_cast %add3A_312 : i32 to index
        %swap3A_314 = arith.constant 48 : index
        %swap3A_315 = tpu.vector_load %arg7[%swap3A_313, %swap3A_314] {strides = array<i32>} : memref<224x256xf32, #tpu.memory_space<vmem>>, vector<16xf32>,
        tpu.vector_store %arg7[%swap3A_313, %swap3A_314], %gather3A_283 {strides = array<i32>} : memref<224x256xf32, #tpu.memory_space<vmem>>, vector<16xf32>,
        %add3A_316 = arith.constant 1 : i32
        %add3A_317 = arith.addi %add3A_180, %add3A_316 : i32
        %swap3A_318 = arith.index_cast %add3A_317 : i32 to index
        %swap3A_319 = arith.constant 64 : index
        %swap3A_320 = tpu.vector_load %arg7[%swap3A_318, %swap3A_319] {strides = array<i32>} : memref<224x256xf32, #tpu.memory_space<vmem>>, vector<16xf32>,
        tpu.vector_store %arg7[%swap3A_318, %swap3A_319], %gather3A_284 {strides = array<i32>} : memref<224x256xf32, #tpu.memory_space<vmem>>, vector<16xf32>,
        %add3A_321 = arith.constant 1 : i32
        %add3A_322 = arith.addi %add3A_180, %add3A_321 : i32
        %swap3A_323 = arith.index_cast %add3A_322 : i32 to index
        %swap3A_324 = arith.constant 80 : index
        %swap3A_325 = tpu.vector_load %arg7[%swap3A_323, %swap3A_324] {strides = array<i32>} : memref<224x256xf32, #tpu.memory_space<vmem>>, vector<16xf32>,
        tpu.vector_store %arg7[%swap3A_323, %swap3A_324], %gather3A_285 {strides = array<i32>} : memref<224x256xf32, #tpu.memory_space<vmem>>, vector<16xf32>,
        %add3A_326 = arith.constant 1 : i32
        %add3A_327 = arith.addi %add3A_180, %add3A_326 : i32
        %swap3A_328 = arith.index_cast %add3A_327 : i32 to index
        %swap3A_329 = arith.constant 96 : index
        %swap3A_330 = tpu.vector_load %arg7[%swap3A_328, %swap3A_329] {strides = array<i32>} : memref<224x256xf32, #tpu.memory_space<vmem>>, vector<16xf32>,
        tpu.vector_store %arg7[%swap3A_328, %swap3A_329], %gather3A_286 {strides = array<i32>} : memref<224x256xf32, #tpu.memory_space<vmem>>, vector<16xf32>,
        %add3A_331 = arith.constant 1 : i32
        %add3A_332 = arith.addi %add3A_180, %add3A_331 : i32
        %swap3A_333 = arith.index_cast %add3A_332 : i32 to index
        %swap3A_334 = arith.constant 112 : index
        %swap3A_335 = tpu.vector_load %arg7[%swap3A_333, %swap3A_334] {strides = array<i32>} : memref<224x256xf32, #tpu.memory_space<vmem>>, vector<16xf32>,
        tpu.vector_store %arg7[%swap3A_333, %swap3A_334], %gather3A_287 {strides = array<i32>} : memref<224x256xf32, #tpu.memory_space<vmem>>, vector<16xf32>,
        %add3A_336 = arith.constant 1 : i32
        %add3A_337 = arith.addi %add3A_180, %add3A_336 : i32
        %swap3A_338 = arith.index_cast %add3A_337 : i32 to index
        %swap3A_339 = arith.constant 128 : index
        %swap3A_340 = tpu.vector_load %arg7[%swap3A_338, %swap3A_339] {strides = array<i32>} : memref<224x256xf32, #tpu.memory_space<vmem>>, vector<16xf32>,
        tpu.vector_store %arg7[%swap3A_338, %swap3A_339], %gather3A_288 {strides = array<i32>} : memref<224x256xf32, #tpu.memory_space<vmem>>, vector<16xf32>,
        %add3A_341 = arith.constant 1 : i32
        %add3A_342 = arith.addi %add3A_180, %add3A_341 : i32
        %swap3A_343 = arith.index_cast %add3A_342 : i32 to index
        %swap3A_344 = arith.constant 144 : index
        %swap3A_345 = tpu.vector_load %arg7[%swap3A_343, %swap3A_344] {strides = array<i32>} : memref<224x256xf32, #tpu.memory_space<vmem>>, vector<16xf32>,
        tpu.vector_store %arg7[%swap3A_343, %swap3A_344], %gather3A_289 {strides = array<i32>} : memref<224x256xf32, #tpu.memory_space<vmem>>, vector<16xf32>,
        %add3A_346 = arith.constant 1 : i32
        %add3A_347 = arith.addi %add3A_180, %add3A_346 : i32
        %swap3A_348 = arith.index_cast %add3A_347 : i32 to index
        %swap3A_349 = arith.constant 160 : index
        %swap3A_350 = tpu.vector_load %arg7[%swap3A_348, %swap3A_349] {strides = array<i32>} : memref<224x256xf32, #tpu.memory_space<vmem>>, vector<16xf32>,
        tpu.vector_store %arg7[%swap3A_348, %swap3A_349], %gather3A_290 {strides = array<i32>} : memref<224x256xf32, #tpu.memory_space<vmem>>, vector<16xf32>,
        %add3A_351 = arith.constant 1 : i32
        %add3A_352 = arith.addi %add3A_180, %add3A_351 : i32
        %swap3A_353 = arith.index_cast %add3A_352 : i32 to index
        %swap3A_354 = arith.constant 176 : index
        %swap3A_355 = tpu.vector_load %arg7[%swap3A_353, %swap3A_354] {strides = array<i32>} : memref<224x256xf32, #tpu.memory_space<vmem>>, vector<16xf32>,
        tpu.vector_store %arg7[%swap3A_353, %swap3A_354], %gather3A_291 {strides = array<i32>} : memref<224x256xf32, #tpu.memory_space<vmem>>, vector<16xf32>,
        %add3A_356 = arith.constant 1 : i32
        %add3A_357 = arith.addi %add3A_180, %add3A_356 : i32
        %swap3A_358 = arith.index_cast %add3A_357 : i32 to index
        %swap3A_359 = arith.constant 192 : index
        %swap3A_360 = tpu.vector_load %arg7[%swap3A_358, %swap3A_359] {strides = array<i32>} : memref<224x256xf32, #tpu.memory_space<vmem>>, vector<16xf32>,
        tpu.vector_store %arg7[%swap3A_358, %swap3A_359], %gather3A_292 {strides = array<i32>} : memref<224x256xf32, #tpu.memory_space<vmem>>, vector<16xf32>,
        %add3A_361 = arith.constant 1 : i32
        %add3A_362 = arith.addi %add3A_180, %add3A_361 : i32
        %swap3A_363 = arith.index_cast %add3A_362 : i32 to index
        %swap3A_364 = arith.constant 208 : index
        %swap3A_365 = tpu.vector_load %arg7[%swap3A_363, %swap3A_364] {strides = array<i32>} : memref<224x256xf32, #tpu.memory_space<vmem>>, vector<16xf32>,
        tpu.vector_store %arg7[%swap3A_363, %swap3A_364], %gather3A_293 {strides = array<i32>} : memref<224x256xf32, #tpu.memory_space<vmem>>, vector<16xf32>,
        %add3A_366 = arith.constant 1 : i32
        %add3A_367 = arith.addi %add3A_180, %add3A_366 : i32
        %swap3A_368 = arith.index_cast %add3A_367 : i32 to index
        %swap3A_369 = arith.constant 224 : index
        %swap3A_370 = tpu.vector_load %arg7[%swap3A_368, %swap3A_369] {strides = array<i32>} : memref<224x256xf32, #tpu.memory_space<vmem>>, vector<16xf32>,
        tpu.vector_store %arg7[%swap3A_368, %swap3A_369], %gather3A_294 {strides = array<i32>} : memref<224x256xf32, #tpu.memory_space<vmem>>, vector<16xf32>,
        %add3A_371 = arith.constant 1 : i32
        %add3A_372 = arith.addi %add3A_180, %add3A_371 : i32
        %swap3A_373 = arith.index_cast %add3A_372 : i32 to index
        %swap3A_374 = arith.constant 240 : index
        %swap3A_375 = tpu.vector_load %arg7[%swap3A_373, %swap3A_374] {strides = array<i32>} : memref<224x256xf32, #tpu.memory_space<vmem>>, vector<16xf32>,
        tpu.vector_store %arg7[%swap3A_373, %swap3A_374], %gather3A_295 {strides = array<i32>} : memref<224x256xf32, #tpu.memory_space<vmem>>, vector<16xf32>,
        %add3A_376 = arith.constant 2 : i32
        %add3A_377 = arith.addi %add3A_180, %add3A_376 : i32
        %broadcast_in_dim3A_378 = vector.broadcast %add3A_377 : i32 to vector<16xi32>
        %gather3A_379 = tpu.vector_load_idx %arg6[%broadcast_in_dim3A_378, %get3A_1] : memref<224x256xf32, #tpu.memory_space<vmem>>[vector<16xi32>, vector<16xi32>], vector<16xf32>,
        %gather3A_380 = tpu.vector_load_idx %arg6[%broadcast_in_dim3A_378, %get3A_3] : memref<224x256xf32, #tpu.memory_space<vmem>>[vector<16xi32>, vector<16xi32>], vector<16xf32>,
        %gather3A_381 = tpu.vector_load_idx %arg6[%broadcast_in_dim3A_378, %get3A_5] : memref<224x256xf32, #tpu.memory_space<vmem>>[vector<16xi32>, vector<16xi32>], vector<16xf32>,
        %gather3A_382 = tpu.vector_load_idx %arg6[%broadcast_in_dim3A_378, %get3A_7] : memref<224x256xf32, #tpu.memory_space<vmem>>[vector<16xi32>, vector<16xi32>], vector<16xf32>,
        %gather3A_383 = tpu.vector_load_idx %arg6[%broadcast_in_dim3A_378, %get3A_9] : memref<224x256xf32, #tpu.memory_space<vmem>>[vector<16xi32>, vector<16xi32>], vector<16xf32>,
        %gather3A_384 = tpu.vector_load_idx %arg6[%broadcast_in_dim3A_378, %get3A_11] : memref<224x256xf32, #tpu.memory_space<vmem>>[vector<16xi32>, vector<16xi32>], vector<16xf32>,
        %gather3A_385 = tpu.vector_load_idx %arg6[%broadcast_in_dim3A_378, %get3A_13] : memref<224x256xf32, #tpu.memory_space<vmem>>[vector<16xi32>, vector<16xi32>], vector<16xf32>,
        %gather3A_386 = tpu.vector_load_idx %arg6[%broadcast_in_dim3A_378, %get3A_15] : memref<224x256xf32, #tpu.memory_space<vmem>>[vector<16xi32>, vector<16xi32>], vector<16xf32>,
        %gather3A_387 = tpu.vector_load_idx %arg6[%broadcast_in_dim3A_378, %get3A_17] : memref<224x256xf32, #tpu.memory_space<vmem>>[vector<16xi32>, vector<16xi32>], vector<16xf32>,
        %gather3A_388 = tpu.vector_load_idx %arg6[%broadcast_in_dim3A_378, %get3A_19] : memref<224x256xf32, #tpu.memory_space<vmem>>[vector<16xi32>, vector<16xi32>], vector<16xf32>,
        %gather3A_389 = tpu.vector_load_idx %arg6[%broadcast_in_dim3A_378, %get3A_21] : memref<224x256xf32, #tpu.memory_space<vmem>>[vector<16xi32>, vector<16xi32>], vector<16xf32>,
        %gather3A_390 = tpu.vector_load_idx %arg6[%broadcast_in_dim3A_378, %get3A_23] : memref<224x256xf32, #tpu.memory_space<vmem>>[vector<16xi32>, vector<16xi32>], vector<16xf32>,
        %gather3A_391 = tpu.vector_load_idx %arg6[%broadcast_in_dim3A_378, %get3A_25] : memref<224x256xf32, #tpu.memory_space<vmem>>[vector<16xi32>, vector<16xi32>], vector<16xf32>,
        %gather3A_392 = tpu.vector_load_idx %arg6[%broadcast_in_dim3A_378, %get3A_27] : memref<224x256xf32, #tpu.memory_space<vmem>>[vector<16xi32>, vector<16xi32>], vector<16xf32>,
        %gather3A_393 = tpu.vector_load_idx %arg6[%broadcast_in_dim3A_378, %get3A_29] : memref<224x256xf32, #tpu.memory_space<vmem>>[vector<16xi32>, vector<16xi32>], vector<16xf32>,
        %gather3A_394 = tpu.vector_load_idx %arg6[%broadcast_in_dim3A_378, %get3A_31] : memref<224x256xf32, #tpu.memory_space<vmem>>[vector<16xi32>, vector<16xi32>], vector<16xf32>,
        %add3A_395 = arith.constant 2 : i32
        %add3A_396 = arith.addi %add3A_180, %add3A_395 : i32
        %swap3A_397 = arith.index_cast %add3A_396 : i32 to index
        %swap3A_398 = arith.constant 0 : index
        %swap3A_399 = tpu.vector_load %arg7[%swap3A_397, %swap3A_398] {strides = array<i32>} : memref<224x256xf32, #tpu.memory_space<vmem>>, vector<16xf32>,
        tpu.vector_store %arg7[%swap3A_397, %swap3A_398], %gather3A_379 {strides = array<i32>} : memref<224x256xf32, #tpu.memory_space<vmem>>, vector<16xf32>,
        %add3A_400 = arith.constant 2 : i32
        %add3A_401 = arith.addi %add3A_180, %add3A_400 : i32
        %swap3A_402 = arith.index_cast %add3A_401 : i32 to index
        %swap3A_403 = arith.constant 16 : index
        %swap3A_404 = tpu.vector_load %arg7[%swap3A_402, %swap3A_403] {strides = array<i32>} : memref<224x256xf32, #tpu.memory_space<vmem>>, vector<16xf32>,
        tpu.vector_store %arg7[%swap3A_402, %swap3A_403], %gather3A_380 {strides = array<i32>} : memref<224x256xf32, #tpu.memory_space<vmem>>, vector<16xf32>,
        %add3A_405 = arith.constant 2 : i32
        %add3A_406 = arith.addi %add3A_180, %add3A_405 : i32
        %swap3A_407 = arith.index_cast %add3A_406 : i32 to index
        %swap3A_408 = arith.constant 32 : index
        %swap3A_409 = tpu.vector_load %arg7[%swap3A_407, %swap3A_408] {strides = array<i32>} : memref<224x256xf32, #tpu.memory_space<vmem>>, vector<16xf32>,
        tpu.vector_store %arg7[%swap3A_407, %swap3A_408], %gather3A_381 {strides = array<i32>} : memref<224x256xf32, #tpu.memory_space<vmem>>, vector<16xf32>,
        %add3A_410 = arith.constant 2 : i32
        %add3A_411 = arith.addi %add3A_180, %add3A_410 : i32
        %swap3A_412 = arith.index_cast %add3A_411 : i32 to index
        %swap3A_413 = arith.constant 48 : index
        %swap3A_414 = tpu.vector_load %arg7[%swap3A_412, %swap3A_413] {strides = array<i32>} : memref<224x256xf32, #tpu.memory_space<vmem>>, vector<16xf32>,
        tpu.vector_store %arg7[%swap3A_412, %swap3A_413], %gather3A_382 {strides = array<i32>} : memref<224x256xf32, #tpu.memory_space<vmem>>, vector<16xf32>,
        %add3A_415 = arith.constant 2 : i32
        %add3A_416 = arith.addi %add3A_180, %add3A_415 : i32
        %swap3A_417 = arith.index_cast %add3A_416 : i32 to index
        %swap3A_418 = arith.constant 64 : index
        %swap3A_419 = tpu.vector_load %arg7[%swap3A_417, %swap3A_418] {strides = array<i32>} : memref<224x256xf32, #tpu.memory_space<vmem>>, vector<16xf32>,
        tpu.vector_store %arg7[%swap3A_417, %swap3A_418], %gather3A_383 {strides = array<i32>} : memref<224x256xf32, #tpu.memory_space<vmem>>, vector<16xf32>,
        %add3A_420 = arith.constant 2 : i32
        %add3A_421 = arith.addi %add3A_180, %add3A_420 : i32
        %swap3A_422 = arith.index_cast %add3A_421 : i32 to index
        %swap3A_423 = arith.constant 80 : index
        %swap3A_424 = tpu.vector_load %arg7[%swap3A_422, %swap3A_423] {strides = array<i32>} : memref<224x256xf32, #tpu.memory_space<vmem>>, vector<16xf32>,
        tpu.vector_store %arg7[%swap3A_422, %swap3A_423], %gather3A_384 {strides = array<i32>} : memref<224x256xf32, #tpu.memory_space<vmem>>, vector<16xf32>,
        %add3A_425 = arith.constant 2 : i32
        %add3A_426 = arith.addi %add3A_180, %add3A_425 : i32
        %swap3A_427 = arith.index_cast %add3A_426 : i32 to index
        %swap3A_428 = arith.constant 96 : index
        %swap3A_429 = tpu.vector_load %arg7[%swap3A_427, %swap3A_428] {strides = array<i32>} : memref<224x256xf32, #tpu.memory_space<vmem>>, vector<16xf32>,
        tpu.vector_store %arg7[%swap3A_427, %swap3A_428], %gather3A_385 {strides = array<i32>} : memref<224x256xf32, #tpu.memory_space<vmem>>, vector<16xf32>,
        %add3A_430 = arith.constant 2 : i32
        %add3A_431 = arith.addi %add3A_180, %add3A_430 : i32
        %swap3A_432 = arith.index_cast %add3A_431 : i32 to index
        %swap3A_433 = arith.constant 112 : index
        %swap3A_434 = tpu.vector_load %arg7[%swap3A_432, %swap3A_433] {strides = array<i32>} : memref<224x256xf32, #tpu.memory_space<vmem>>, vector<16xf32>,
        tpu.vector_store %arg7[%swap3A_432, %swap3A_433], %gather3A_386 {strides = array<i32>} : memref<224x256xf32, #tpu.memory_space<vmem>>, vector<16xf32>,
        %add3A_435 = arith.constant 2 : i32
        %add3A_436 = arith.addi %add3A_180, %add3A_435 : i32
        %swap3A_437 = arith.index_cast %add3A_436 : i32 to index
        %swap3A_438 = arith.constant 128 : index
        %swap3A_439 = tpu.vector_load %arg7[%swap3A_437, %swap3A_438] {strides = array<i32>} : memref<224x256xf32, #tpu.memory_space<vmem>>, vector<16xf32>,
        tpu.vector_store %arg7[%swap3A_437, %swap3A_438], %gather3A_387 {strides = array<i32>} : memref<224x256xf32, #tpu.memory_space<vmem>>, vector<16xf32>,
        %add3A_440 = arith.constant 2 : i32
        %add3A_441 = arith.addi %add3A_180, %add3A_440 : i32
        %swap3A_442 = arith.index_cast %add3A_441 : i32 to index
        %swap3A_443 = arith.constant 144 : index
        %swap3A_444 = tpu.vector_load %arg7[%swap3A_442, %swap3A_443] {strides = array<i32>} : memref<224x256xf32, #tpu.memory_space<vmem>>, vector<16xf32>,
        tpu.vector_store %arg7[%swap3A_442, %swap3A_443], %gather3A_388 {strides = array<i32>} : memref<224x256xf32, #tpu.memory_space<vmem>>, vector<16xf32>,
        %add3A_445 = arith.constant 2 : i32
        %add3A_446 = arith.addi %add3A_180, %add3A_445 : i32
        %swap3A_447 = arith.index_cast %add3A_446 : i32 to index
        %swap3A_448 = arith.constant 160 : index
        %swap3A_449 = tpu.vector_load %arg7[%swap3A_447, %swap3A_448] {strides = array<i32>} : memref<224x256xf32, #tpu.memory_space<vmem>>, vector<16xf32>,
        tpu.vector_store %arg7[%swap3A_447, %swap3A_448], %gather3A_389 {strides = array<i32>} : memref<224x256xf32, #tpu.memory_space<vmem>>, vector<16xf32>,
        %add3A_450 = arith.constant 2 : i32
        %add3A_451 = arith.addi %add3A_180, %add3A_450 : i32
        %swap3A_452 = arith.index_cast %add3A_451 : i32 to index
        %swap3A_453 = arith.constant 176 : index
        %swap3A_454 = tpu.vector_load %arg7[%swap3A_452, %swap3A_453] {strides = array<i32>} : memref<224x256xf32, #tpu.memory_space<vmem>>, vector<16xf32>,
        tpu.vector_store %arg7[%swap3A_452, %swap3A_453], %gather3A_390 {strides = array<i32>} : memref<224x256xf32, #tpu.memory_space<vmem>>, vector<16xf32>,
        %add3A_455 = arith.constant 2 : i32
        %add3A_456 = arith.addi %add3A_180, %add3A_455 : i32
        %swap3A_457 = arith.index_cast %add3A_456 : i32 to index
        %swap3A_458 = arith.constant 192 : index
        %swap3A_459 = tpu.vector_load %arg7[%swap3A_457, %swap3A_458] {strides = array<i32>} : memref<224x256xf32, #tpu.memory_space<vmem>>, vector<16xf32>,
        tpu.vector_store %arg7[%swap3A_457, %swap3A_458], %gather3A_391 {strides = array<i32>} : memref<224x256xf32, #tpu.memory_space<vmem>>, vector<16xf32>,
        %add3A_460 = arith.constant 2 : i32
        %add3A_461 = arith.addi %add3A_180, %add3A_460 : i32
        %swap3A_462 = arith.index_cast %add3A_461 : i32 to index
        %swap3A_463 = arith.constant 208 : index
        %swap3A_464 = tpu.vector_load %arg7[%swap3A_462, %swap3A_463] {strides = array<i32>} : memref<224x256xf32, #tpu.memory_space<vmem>>, vector<16xf32>,
        tpu.vector_store %arg7[%swap3A_462, %swap3A_463], %gather3A_392 {strides = array<i32>} : memref<224x256xf32, #tpu.memory_space<vmem>>, vector<16xf32>,
        %add3A_465 = arith.constant 2 : i32
        %add3A_466 = arith.addi %add3A_180, %add3A_465 : i32
        %swap3A_467 = arith.index_cast %add3A_466 : i32 to index
        %swap3A_468 = arith.constant 224 : index
        %swap3A_469 = tpu.vector_load %arg7[%swap3A_467, %swap3A_468] {strides = array<i32>} : memref<224x256xf32, #tpu.memory_space<vmem>>, vector<16xf32>,
        tpu.vector_store %arg7[%swap3A_467, %swap3A_468], %gather3A_393 {strides = array<i32>} : memref<224x256xf32, #tpu.memory_space<vmem>>, vector<16xf32>,
        %add3A_470 = arith.constant 2 : i32
        %add3A_471 = arith.addi %add3A_180, %add3A_470 : i32
        %swap3A_472 = arith.index_cast %add3A_471 : i32 to index
        %swap3A_473 = arith.constant 240 : index
        %swap3A_474 = tpu.vector_load %arg7[%swap3A_472, %swap3A_473] {strides = array<i32>} : memref<224x256xf32, #tpu.memory_space<vmem>>, vector<16xf32>,
        tpu.vector_store %arg7[%swap3A_472, %swap3A_473], %gather3A_394 {strides = array<i32>} : memref<224x256xf32, #tpu.memory_space<vmem>>, vector<16xf32>,
        %add3A_475 = arith.constant 3 : i32
        %add3A_476 = arith.addi %add3A_180, %add3A_475 : i32
        %broadcast_in_dim3A_477 = vector.broadcast %add3A_476 : i32 to vector<16xi32>
        %gather3A_478 = tpu.vector_load_idx %arg6[%broadcast_in_dim3A_477, %get3A_1] : memref<224x256xf32, #tpu.memory_space<vmem>>[vector<16xi32>, vector<16xi32>], vector<16xf32>,
        %gather3A_479 = tpu.vector_load_idx %arg6[%broadcast_in_dim3A_477, %get3A_3] : memref<224x256xf32, #tpu.memory_space<vmem>>[vector<16xi32>, vector<16xi32>], vector<16xf32>,
        %gather3A_480 = tpu.vector_load_idx %arg6[%broadcast_in_dim3A_477, %get3A_5] : memref<224x256xf32, #tpu.memory_space<vmem>>[vector<16xi32>, vector<16xi32>], vector<16xf32>,
        %gather3A_481 = tpu.vector_load_idx %arg6[%broadcast_in_dim3A_477, %get3A_7] : memref<224x256xf32, #tpu.memory_space<vmem>>[vector<16xi32>, vector<16xi32>], vector<16xf32>,
        %gather3A_482 = tpu.vector_load_idx %arg6[%broadcast_in_dim3A_477, %get3A_9] : memref<224x256xf32, #tpu.memory_space<vmem>>[vector<16xi32>, vector<16xi32>], vector<16xf32>,
        %gather3A_483 = tpu.vector_load_idx %arg6[%broadcast_in_dim3A_477, %get3A_11] : memref<224x256xf32, #tpu.memory_space<vmem>>[vector<16xi32>, vector<16xi32>], vector<16xf32>,
        %gather3A_484 = tpu.vector_load_idx %arg6[%broadcast_in_dim3A_477, %get3A_13] : memref<224x256xf32, #tpu.memory_space<vmem>>[vector<16xi32>, vector<16xi32>], vector<16xf32>,
        %gather3A_485 = tpu.vector_load_idx %arg6[%broadcast_in_dim3A_477, %get3A_15] : memref<224x256xf32, #tpu.memory_space<vmem>>[vector<16xi32>, vector<16xi32>], vector<16xf32>,
        %gather3A_486 = tpu.vector_load_idx %arg6[%broadcast_in_dim3A_477, %get3A_17] : memref<224x256xf32, #tpu.memory_space<vmem>>[vector<16xi32>, vector<16xi32>], vector<16xf32>,
        %gather3A_487 = tpu.vector_load_idx %arg6[%broadcast_in_dim3A_477, %get3A_19] : memref<224x256xf32, #tpu.memory_space<vmem>>[vector<16xi32>, vector<16xi32>], vector<16xf32>,
        %gather3A_488 = tpu.vector_load_idx %arg6[%broadcast_in_dim3A_477, %get3A_21] : memref<224x256xf32, #tpu.memory_space<vmem>>[vector<16xi32>, vector<16xi32>], vector<16xf32>,
        %gather3A_489 = tpu.vector_load_idx %arg6[%broadcast_in_dim3A_477, %get3A_23] : memref<224x256xf32, #tpu.memory_space<vmem>>[vector<16xi32>, vector<16xi32>], vector<16xf32>,
        %gather3A_490 = tpu.vector_load_idx %arg6[%broadcast_in_dim3A_477, %get3A_25] : memref<224x256xf32, #tpu.memory_space<vmem>>[vector<16xi32>, vector<16xi32>], vector<16xf32>,
        %gather3A_491 = tpu.vector_load_idx %arg6[%broadcast_in_dim3A_477, %get3A_27] : memref<224x256xf32, #tpu.memory_space<vmem>>[vector<16xi32>, vector<16xi32>], vector<16xf32>,
        %gather3A_492 = tpu.vector_load_idx %arg6[%broadcast_in_dim3A_477, %get3A_29] : memref<224x256xf32, #tpu.memory_space<vmem>>[vector<16xi32>, vector<16xi32>], vector<16xf32>,
        %gather3A_493 = tpu.vector_load_idx %arg6[%broadcast_in_dim3A_477, %get3A_31] : memref<224x256xf32, #tpu.memory_space<vmem>>[vector<16xi32>, vector<16xi32>], vector<16xf32>,
        %add3A_494 = arith.constant 3 : i32
        %add3A_495 = arith.addi %add3A_180, %add3A_494 : i32
        %swap3A_496 = arith.index_cast %add3A_495 : i32 to index
        %swap3A_497 = arith.constant 0 : index
        %swap3A_498 = tpu.vector_load %arg7[%swap3A_496, %swap3A_497] {strides = array<i32>} : memref<224x256xf32, #tpu.memory_space<vmem>>, vector<16xf32>,
        tpu.vector_store %arg7[%swap3A_496, %swap3A_497], %gather3A_478 {strides = array<i32>} : memref<224x256xf32, #tpu.memory_space<vmem>>, vector<16xf32>,
        %add3A_499 = arith.constant 3 : i32
        %add3A_500 = arith.addi %add3A_180, %add3A_499 : i32
        %swap3A_501 = arith.index_cast %add3A_500 : i32 to index
        %swap3A_502 = arith.constant 16 : index
        %swap3A_503 = tpu.vector_load %arg7[%swap3A_501, %swap3A_502] {strides = array<i32>} : memref<224x256xf32, #tpu.memory_space<vmem>>, vector<16xf32>,
        tpu.vector_store %arg7[%swap3A_501, %swap3A_502], %gather3A_479 {strides = array<i32>} : memref<224x256xf32, #tpu.memory_space<vmem>>, vector<16xf32>,
        %add3A_504 = arith.constant 3 : i32
        %add3A_505 = arith.addi %add3A_180, %add3A_504 : i32
        %swap3A_506 = arith.index_cast %add3A_505 : i32 to index
        %swap3A_507 = arith.constant 32 : index
        %swap3A_508 = tpu.vector_load %arg7[%swap3A_506, %swap3A_507] {strides = array<i32>} : memref<224x256xf32, #tpu.memory_space<vmem>>, vector<16xf32>,
        tpu.vector_store %arg7[%swap3A_506, %swap3A_507], %gather3A_480 {strides = array<i32>} : memref<224x256xf32, #tpu.memory_space<vmem>>, vector<16xf32>,
        %add3A_509 = arith.constant 3 : i32
        %add3A_510 = arith.addi %add3A_180, %add3A_509 : i32
        %swap3A_511 = arith.index_cast %add3A_510 : i32 to index
        %swap3A_512 = arith.constant 48 : index
        %swap3A_513 = tpu.vector_load %arg7[%swap3A_511, %swap3A_512] {strides = array<i32>} : memref<224x256xf32, #tpu.memory_space<vmem>>, vector<16xf32>,
        tpu.vector_store %arg7[%swap3A_511, %swap3A_512], %gather3A_481 {strides = array<i32>} : memref<224x256xf32, #tpu.memory_space<vmem>>, vector<16xf32>,
        %add3A_514 = arith.constant 3 : i32
        %add3A_515 = arith.addi %add3A_180, %add3A_514 : i32
        %swap3A_516 = arith.index_cast %add3A_515 : i32 to index
        %swap3A_517 = arith.constant 64 : index
        %swap3A_518 = tpu.vector_load %arg7[%swap3A_516, %swap3A_517] {strides = array<i32>} : memref<224x256xf32, #tpu.memory_space<vmem>>, vector<16xf32>,
        tpu.vector_store %arg7[%swap3A_516, %swap3A_517], %gather3A_482 {strides = array<i32>} : memref<224x256xf32, #tpu.memory_space<vmem>>, vector<16xf32>,
        %add3A_519 = arith.constant 3 : i32
        %add3A_520 = arith.addi %add3A_180, %add3A_519 : i32
        %swap3A_521 = arith.index_cast %add3A_520 : i32 to index
        %swap3A_522 = arith.constant 80 : index
        %swap3A_523 = tpu.vector_load %arg7[%swap3A_521, %swap3A_522] {strides = array<i32>} : memref<224x256xf32, #tpu.memory_space<vmem>>, vector<16xf32>,
        tpu.vector_store %arg7[%swap3A_521, %swap3A_522], %gather3A_483 {strides = array<i32>} : memref<224x256xf32, #tpu.memory_space<vmem>>, vector<16xf32>,
        %add3A_524 = arith.constant 3 : i32
        %add3A_525 = arith.addi %add3A_180, %add3A_524 : i32
        %swap3A_526 = arith.index_cast %add3A_525 : i32 to index
        %swap3A_527 = arith.constant 96 : index
        %swap3A_528 = tpu.vector_load %arg7[%swap3A_526, %swap3A_527] {strides = array<i32>} : memref<224x256xf32, #tpu.memory_space<vmem>>, vector<16xf32>,
        tpu.vector_store %arg7[%swap3A_526, %swap3A_527], %gather3A_484 {strides = array<i32>} : memref<224x256xf32, #tpu.memory_space<vmem>>, vector<16xf32>,
        %add3A_529 = arith.constant 3 : i32
        %add3A_530 = arith.addi %add3A_180, %add3A_529 : i32
        %swap3A_531 = arith.index_cast %add3A_530 : i32 to index
        %swap3A_532 = arith.constant 112 : index
        %swap3A_533 = tpu.vector_load %arg7[%swap3A_531, %swap3A_532] {strides = array<i32>} : memref<224x256xf32, #tpu.memory_space<vmem>>, vector<16xf32>,
        tpu.vector_store %arg7[%swap3A_531, %swap3A_532], %gather3A_485 {strides = array<i32>} : memref<224x256xf32, #tpu.memory_space<vmem>>, vector<16xf32>,
        %add3A_534 = arith.constant 3 : i32
        %add3A_535 = arith.addi %add3A_180, %add3A_534 : i32
        %swap3A_536 = arith.index_cast %add3A_535 : i32 to index
        %swap3A_537 = arith.constant 128 : index
        %swap3A_538 = tpu.vector_load %arg7[%swap3A_536, %swap3A_537] {strides = array<i32>} : memref<224x256xf32, #tpu.memory_space<vmem>>, vector<16xf32>,
        tpu.vector_store %arg7[%swap3A_536, %swap3A_537], %gather3A_486 {strides = array<i32>} : memref<224x256xf32, #tpu.memory_space<vmem>>, vector<16xf32>,
        %add3A_539 = arith.constant 3 : i32
        %add3A_540 = arith.addi %add3A_180, %add3A_539 : i32
        %swap3A_541 = arith.index_cast %add3A_540 : i32 to index
        %swap3A_542 = arith.constant 144 : index
        %swap3A_543 = tpu.vector_load %arg7[%swap3A_541, %swap3A_542] {strides = array<i32>} : memref<224x256xf32, #tpu.memory_space<vmem>>, vector<16xf32>,
        tpu.vector_store %arg7[%swap3A_541, %swap3A_542], %gather3A_487 {strides = array<i32>} : memref<224x256xf32, #tpu.memory_space<vmem>>, vector<16xf32>,
        %add3A_544 = arith.constant 3 : i32
        %add3A_545 = arith.addi %add3A_180, %add3A_544 : i32
        %swap3A_546 = arith.index_cast %add3A_545 : i32 to index
        %swap3A_547 = arith.constant 160 : index
        %swap3A_548 = tpu.vector_load %arg7[%swap3A_546, %swap3A_547] {strides = array<i32>} : memref<224x256xf32, #tpu.memory_space<vmem>>, vector<16xf32>,
        tpu.vector_store %arg7[%swap3A_546, %swap3A_547], %gather3A_488 {strides = array<i32>} : memref<224x256xf32, #tpu.memory_space<vmem>>, vector<16xf32>,
        %add3A_549 = arith.constant 3 : i32
        %add3A_550 = arith.addi %add3A_180, %add3A_549 : i32
        %swap3A_551 = arith.index_cast %add3A_550 : i32 to index
        %swap3A_552 = arith.constant 176 : index
        %swap3A_553 = tpu.vector_load %arg7[%swap3A_551, %swap3A_552] {strides = array<i32>} : memref<224x256xf32, #tpu.memory_space<vmem>>, vector<16xf32>,
        tpu.vector_store %arg7[%swap3A_551, %swap3A_552], %gather3A_489 {strides = array<i32>} : memref<224x256xf32, #tpu.memory_space<vmem>>, vector<16xf32>,
        %add3A_554 = arith.constant 3 : i32
        %add3A_555 = arith.addi %add3A_180, %add3A_554 : i32
        %swap3A_556 = arith.index_cast %add3A_555 : i32 to index
        %swap3A_557 = arith.constant 192 : index
        %swap3A_558 = tpu.vector_load %arg7[%swap3A_556, %swap3A_557] {strides = array<i32>} : memref<224x256xf32, #tpu.memory_space<vmem>>, vector<16xf32>,
        tpu.vector_store %arg7[%swap3A_556, %swap3A_557], %gather3A_490 {strides = array<i32>} : memref<224x256xf32, #tpu.memory_space<vmem>>, vector<16xf32>,
        %add3A_559 = arith.constant 3 : i32
        %add3A_560 = arith.addi %add3A_180, %add3A_559 : i32
        %swap3A_561 = arith.index_cast %add3A_560 : i32 to index
        %swap3A_562 = arith.constant 208 : index
        %swap3A_563 = tpu.vector_load %arg7[%swap3A_561, %swap3A_562] {strides = array<i32>} : memref<224x256xf32, #tpu.memory_space<vmem>>, vector<16xf32>,
        tpu.vector_store %arg7[%swap3A_561, %swap3A_562], %gather3A_491 {strides = array<i32>} : memref<224x256xf32, #tpu.memory_space<vmem>>, vector<16xf32>,
        %add3A_564 = arith.constant 3 : i32
        %add3A_565 = arith.addi %add3A_180, %add3A_564 : i32
        %swap3A_566 = arith.index_cast %add3A_565 : i32 to index
        %swap3A_567 = arith.constant 224 : index
        %swap3A_568 = tpu.vector_load %arg7[%swap3A_566, %swap3A_567] {strides = array<i32>} : memref<224x256xf32, #tpu.memory_space<vmem>>, vector<16xf32>,
        tpu.vector_store %arg7[%swap3A_566, %swap3A_567], %gather3A_492 {strides = array<i32>} : memref<224x256xf32, #tpu.memory_space<vmem>>, vector<16xf32>,
        %add3A_569 = arith.constant 3 : i32
        %add3A_570 = arith.addi %add3A_180, %add3A_569 : i32
        %swap3A_571 = arith.index_cast %add3A_570 : i32 to index
        %swap3A_572 = arith.constant 240 : index
        %swap3A_573 = tpu.vector_load %arg7[%swap3A_571, %swap3A_572] {strides = array<i32>} : memref<224x256xf32, #tpu.memory_space<vmem>>, vector<16xf32>,
        tpu.vector_store %arg7[%swap3A_571, %swap3A_572], %gather3A_493 {strides = array<i32>} : memref<224x256xf32, #tpu.memory_space<vmem>>, vector<16xf32>,
      }
      %scan3A_109 = arith.constant 28 : i32
      %mul3A_110 = arith.constant 112 : i32
      %mul3A_111 = arith.muli %add3A_89, %mul3A_110 : i32
      %add3A_112 = arith.addi %mul3A_33, %mul3A_111 : i32
      %dma_start3A_113 = arith.constant 0 : i32
      %dma_start3A_114 = arith.constant 0 : i32
      %dma_start3A_115 = tpu.memref_slice %arg7[%dma_start3A_113, %dma_start3A_114] : memref<224x256xf32, #tpu.memory_space<vmem>> -> memref<112x256xf32, #tpu.memory_space<vmem>>
      %dma_start3A_116 = arith.constant 0 : i32
      %dma_start3A_117 = tpu.memref_slice %arg4[%add3A_112, %dma_start3A_116] : memref<200704x256xf32, #tpu.memory_space<hbm>> -> memref<112x256xf32, #tpu.memory_space<hbm>>
      %dma_start3A_118 = arith.constant 0 : i32
      %dma_start3A_119 = tpu.memref_slice %arg4[%add3A_112, %dma_start3A_118] : memref<200704x256xf32, #tpu.memory_space<hbm>> -> memref<112x256xf32, #tpu.memory_space<hbm>>
      %dma_start3A_120 = arith.constant 0 : i32
      %dma_start3A_121 = arith.constant 0 : i32
      %dma_start3A_122 = tpu.memref_slice %arg7[%dma_start3A_120, %dma_start3A_121] : memref<224x256xf32, #tpu.memory_space<vmem>> -> memref<112x256xf32, #tpu.memory_space<vmem>>
      tpu.enqueue_dma source(%dma_start3A_122 : memref<112x256xf32, #tpu.memory_space<vmem>>) target(%dma_start3A_119 : memref<112x256xf32, #tpu.memory_space<hbm>>) target_semaphore(%arg10 : memref<!tpu.dma_semaphore, #tpu.memory_space<semaphore_mem>>)
      %add3A_123 = arith.constant 2 : i32
      %add3A_124 = arith.addi %add3A_89, %add3A_123 : i32
      %lt3A = arith.constant 56 : i32
      %lt3A_125 = arith.cmpi slt, %add3A_124, %lt3A : i32
      %convert_element_type3A_126 = arith.extui %lt3A_125 : i1 to i32
      %cond3A_127 = arith.constant 0 : i32
      %cond3A_128 = arith.cmpi ne, %convert_element_type3A_126, %cond3A_127 : i32
      scf.if %cond3A_128 {
        %add3A_176 = arith.constant 2 : i32
        %add3A_177 = arith.addi %add3A_89, %add3A_176 : i32
        %mul3A_178 = arith.constant 112 : i32
        %mul3A_179 = arith.muli %add3A_177, %mul3A_178 : i32
        %add3A_180 = arith.addi %mul3A_33, %mul3A_179 : i32
        %dma_start3A_181 = arith.constant 0 : i32
        %dma_start3A_182 = arith.constant 0 : i32
        %dma_start3A_183 = tpu.memref_slice %arg6[%dma_start3A_181, %dma_start3A_182] : memref<224x256xf32, #tpu.memory_space<vmem>> -> memref<112x256xf32, #tpu.memory_space<vmem>>
        %dma_start3A_184 = arith.constant 0 : i32
        %dma_start3A_185 = tpu.memref_slice %arg2[%add3A_180, %dma_start3A_184] : memref<200704x256xf32, #tpu.memory_space<hbm>> -> memref<112x256xf32, #tpu.memory_space<hbm>>
        %dma_start3A_186 = arith.constant 0 : i32
        %dma_start3A_187 = arith.constant 0 : i32
        %dma_start3A_188 = tpu.memref_slice %arg6[%dma_start3A_186, %dma_start3A_187] : memref<224x256xf32, #tpu.memory_space<vmem>> -> memref<112x256xf32, #tpu.memory_space<vmem>>
        %dma_start3A_189 = arith.constant 0 : i32
        %dma_start3A_190 = tpu.memref_slice %arg2[%add3A_180, %dma_start3A_189] : memref<200704x256xf32, #tpu.memory_space<hbm>> -> memref<112x256xf32, #tpu.memory_space<hbm>>
        tpu.enqueue_dma source(%dma_start3A_190 : memref<112x256xf32, #tpu.memory_space<hbm>>) target(%dma_start3A_188 : memref<112x256xf32, #tpu.memory_space<vmem>>) target_semaphore(%arg8 : memref<!tpu.dma_semaphore, #tpu.memory_space<semaphore_mem>>)
      } else {
      }
      %mul3A_129 = arith.constant 2 : i32
      %mul3A_130 = arith.muli %mul3A_129, %scan3A_85 : i32
      %add3A_131 = arith.constant 1 : i32
      %add3A_132 = arith.addi %mul3A_130, %add3A_131 : i32
      %dma_wait3A_133 = arith.constant 0 : i32
      %dma_wait3A_134 = arith.constant 0 : i32
      %dma_wait3A_135 = tpu.memref_slice %arg6[%dma_wait3A_133, %dma_wait3A_134] : memref<224x256xf32, #tpu.memory_space<vmem>> -> memref<112x256xf32, #tpu.memory_space<vmem>>
      %dma_wait3A_136 = arith.constant 0 : i32
      %dma_wait3A_137 = arith.constant 0 : i32
      %dma_wait3A_138 = tpu.memref_slice %arg2[%dma_wait3A_136, %dma_wait3A_137] : memref<200704x256xf32, #tpu.memory_space<hbm>> -> memref<112x256xf32, #tpu.memory_space<hbm>>
      %dma_wait3A_139 = arith.constant 0 : i32
      %dma_wait3A_140 = arith.constant 0 : i32
      %dma_wait3A_141 = tpu.memref_slice %arg6[%dma_wait3A_139, %dma_wait3A_140] : memref<224x256xf32, #tpu.memory_space<vmem>> -> memref<112x256xf32, #tpu.memory_space<vmem>>
      %dma_wait3A_142 = arith.constant 0 : i32
      %dma_wait3A_143 = arith.constant 0 : i32
      %dma_wait3A_144 = tpu.memref_slice %arg2[%dma_wait3A_142, %dma_wait3A_143] : memref<200704x256xf32, #tpu.memory_space<hbm>> -> memref<112x256xf32, #tpu.memory_space<hbm>>
      tpu.wait_dma2 semaphore(%arg9 : memref<!tpu.dma_semaphore, #tpu.memory_space<semaphore_mem>>) src(%dma_wait3A_144 : memref<112x256xf32, #tpu.memory_space<hbm>>) dst(%dma_wait3A_141 : memref<112x256xf32, #tpu.memory_space<vmem>>)
      %ge3A_145 = arith.constant 2 : i32
      %ge3A_146 = arith.cmpi sge, %add3A_132, %ge3A_145 : i32
      %convert_element_type3A_147 = arith.extui %ge3A_146 : i1 to i32
      %cond3A_148 = arith.constant 0 : i32
      %cond3A_149 = arith.cmpi ne, %convert_element_type3A_147, %cond3A_148 : i32
      scf.if %cond3A_149 {
        %dma_wait3A_176 = arith.constant 0 : i32
        %dma_wait3A_177 = arith.constant 0 : i32
        %dma_wait3A_178 = tpu.memref_slice %arg7[%dma_wait3A_176, %dma_wait3A_177] : memref<224x256xf32, #tpu.memory_space<vmem>> -> memref<112x256xf32, #tpu.memory_space<vmem>>
        %dma_wait3A_179 = arith.constant 0 : i32
        %dma_wait3A_180 = arith.constant 0 : i32
        %dma_wait3A_181 = tpu.memref_slice %arg4[%dma_wait3A_179, %dma_wait3A_180] : memref<200704x256xf32, #tpu.memory_space<hbm>> -> memref<112x256xf32, #tpu.memory_space<hbm>>
        %dma_wait3A_182 = arith.constant 0 : i32
        %dma_wait3A_183 = arith.constant 0 : i32
        %dma_wait3A_184 = tpu.memref_slice %arg4[%dma_wait3A_182, %dma_wait3A_183] : memref<200704x256xf32, #tpu.memory_space<hbm>> -> memref<112x256xf32, #tpu.memory_space<hbm>>
        %dma_wait3A_185 = arith.constant 0 : i32
        %dma_wait3A_186 = arith.constant 0 : i32
        %dma_wait3A_187 = tpu.memref_slice %arg7[%dma_wait3A_185, %dma_wait3A_186] : memref<224x256xf32, #tpu.memory_space<vmem>> -> memref<112x256xf32, #tpu.memory_space<vmem>>
        tpu.wait_dma2 semaphore(%arg11 : memref<!tpu.dma_semaphore, #tpu.memory_space<semaphore_mem>>) src(%dma_wait3A_187 : memref<112x256xf32, #tpu.memory_space<vmem>>) dst(%dma_wait3A_184 : memref<112x256xf32, #tpu.memory_space<hbm>>)
      } else {
      }
      %scan3A_150 = arith.constant 0 : i32
      %scan3A_151 = arith.constant 0 : i32
      %scan3A_152 = arith.constant 28 : i32
      %scan3A_153 = arith.addi %scan3A_151, %scan3A_152 : i32
      %scan3A_154 = arith.constant 1 : i32
      scf.for %scan3A_176 = %scan3A_151 to %scan3A_153 step %scan3A_154  : i32 {
        %mul3A_177 = arith.constant 4 : i32
        %mul3A_178 = arith.muli %scan3A_176, %mul3A_177 : i32
        %add3A_179 = arith.constant 112 : i32
        %add3A_180 = arith.addi %add3A_179, %mul3A_178 : i32
        %add3A_181 = arith.constant 0 : i32
        %add3A_182 = arith.addi %add3A_180, %add3A_181 : i32
        %broadcast_in_dim3A = vector.broadcast %add3A_182 : i32 to vector<16xi32>
        %gather3A = tpu.vector_load_idx %arg6[%broadcast_in_dim3A, %get3A_1] : memref<224x256xf32, #tpu.memory_space<vmem>>[vector<16xi32>, vector<16xi32>], vector<16xf32>,
        %gather3A_183 = tpu.vector_load_idx %arg6[%broadcast_in_dim3A, %get3A_3] : memref<224x256xf32, #tpu.memory_space<vmem>>[vector<16xi32>, vector<16xi32>], vector<16xf32>,
        %gather3A_184 = tpu.vector_load_idx %arg6[%broadcast_in_dim3A, %get3A_5] : memref<224x256xf32, #tpu.memory_space<vmem>>[vector<16xi32>, vector<16xi32>], vector<16xf32>,
        %gather3A_185 = tpu.vector_load_idx %arg6[%broadcast_in_dim3A, %get3A_7] : memref<224x256xf32, #tpu.memory_space<vmem>>[vector<16xi32>, vector<16xi32>], vector<16xf32>,
        %gather3A_186 = tpu.vector_load_idx %arg6[%broadcast_in_dim3A, %get3A_9] : memref<224x256xf32, #tpu.memory_space<vmem>>[vector<16xi32>, vector<16xi32>], vector<16xf32>,
        %gather3A_187 = tpu.vector_load_idx %arg6[%broadcast_in_dim3A, %get3A_11] : memref<224x256xf32, #tpu.memory_space<vmem>>[vector<16xi32>, vector<16xi32>], vector<16xf32>,
        %gather3A_188 = tpu.vector_load_idx %arg6[%broadcast_in_dim3A, %get3A_13] : memref<224x256xf32, #tpu.memory_space<vmem>>[vector<16xi32>, vector<16xi32>], vector<16xf32>,
        %gather3A_189 = tpu.vector_load_idx %arg6[%broadcast_in_dim3A, %get3A_15] : memref<224x256xf32, #tpu.memory_space<vmem>>[vector<16xi32>, vector<16xi32>], vector<16xf32>,
        %gather3A_190 = tpu.vector_load_idx %arg6[%broadcast_in_dim3A, %get3A_17] : memref<224x256xf32, #tpu.memory_space<vmem>>[vector<16xi32>, vector<16xi32>], vector<16xf32>,
        %gather3A_191 = tpu.vector_load_idx %arg6[%broadcast_in_dim3A, %get3A_19] : memref<224x256xf32, #tpu.memory_space<vmem>>[vector<16xi32>, vector<16xi32>], vector<16xf32>,
        %gather3A_192 = tpu.vector_load_idx %arg6[%broadcast_in_dim3A, %get3A_21] : memref<224x256xf32, #tpu.memory_space<vmem>>[vector<16xi32>, vector<16xi32>], vector<16xf32>,
        %gather3A_193 = tpu.vector_load_idx %arg6[%broadcast_in_dim3A, %get3A_23] : memref<224x256xf32, #tpu.memory_space<vmem>>[vector<16xi32>, vector<16xi32>], vector<16xf32>,
        %gather3A_194 = tpu.vector_load_idx %arg6[%broadcast_in_dim3A, %get3A_25] : memref<224x256xf32, #tpu.memory_space<vmem>>[vector<16xi32>, vector<16xi32>], vector<16xf32>,
        %gather3A_195 = tpu.vector_load_idx %arg6[%broadcast_in_dim3A, %get3A_27] : memref<224x256xf32, #tpu.memory_space<vmem>>[vector<16xi32>, vector<16xi32>], vector<16xf32>,
        %gather3A_196 = tpu.vector_load_idx %arg6[%broadcast_in_dim3A, %get3A_29] : memref<224x256xf32, #tpu.memory_space<vmem>>[vector<16xi32>, vector<16xi32>], vector<16xf32>,
        %gather3A_197 = tpu.vector_load_idx %arg6[%broadcast_in_dim3A, %get3A_31] : memref<224x256xf32, #tpu.memory_space<vmem>>[vector<16xi32>, vector<16xi32>], vector<16xf32>,
        %add3A_198 = arith.constant 0 : i32
        %add3A_199 = arith.addi %add3A_180, %add3A_198 : i32
        %swap3A = arith.index_cast %add3A_199 : i32 to index
        %swap3A_200 = arith.constant 0 : index
        %swap3A_201 = tpu.vector_load %arg7[%swap3A, %swap3A_200] {strides = array<i32>} : memref<224x256xf32, #tpu.memory_space<vmem>>, vector<16xf32>,
        tpu.vector_store %arg7[%swap3A, %swap3A_200], %gather3A {strides = array<i32>} : memref<224x256xf32, #tpu.memory_space<vmem>>, vector<16xf32>,
        %add3A_202 = arith.constant 0 : i32
        %add3A_203 = arith.addi %add3A_180, %add3A_202 : i32
        %swap3A_204 = arith.index_cast %add3A_203 : i32 to index
        %swap3A_205 = arith.constant 16 : index
        %swap3A_206 = tpu.vector_load %arg7[%swap3A_204, %swap3A_205] {strides = array<i32>} : memref<224x256xf32, #tpu.memory_space<vmem>>, vector<16xf32>,
        tpu.vector_store %arg7[%swap3A_204, %swap3A_205], %gather3A_183 {strides = array<i32>} : memref<224x256xf32, #tpu.memory_space<vmem>>, vector<16xf32>,
        %add3A_207 = arith.constant 0 : i32
        %add3A_208 = arith.addi %add3A_180, %add3A_207 : i32
        %swap3A_209 = arith.index_cast %add3A_208 : i32 to index
        %swap3A_210 = arith.constant 32 : index
        %swap3A_211 = tpu.vector_load %arg7[%swap3A_209, %swap3A_210] {strides = array<i32>} : memref<224x256xf32, #tpu.memory_space<vmem>>, vector<16xf32>,
        tpu.vector_store %arg7[%swap3A_209, %swap3A_210], %gather3A_184 {strides = array<i32>} : memref<224x256xf32, #tpu.memory_space<vmem>>, vector<16xf32>,
        %add3A_212 = arith.constant 0 : i32
        %add3A_213 = arith.addi %add3A_180, %add3A_212 : i32
        %swap3A_214 = arith.index_cast %add3A_213 : i32 to index
        %swap3A_215 = arith.constant 48 : index
        %swap3A_216 = tpu.vector_load %arg7[%swap3A_214, %swap3A_215] {strides = array<i32>} : memref<224x256xf32, #tpu.memory_space<vmem>>, vector<16xf32>,
        tpu.vector_store %arg7[%swap3A_214, %swap3A_215], %gather3A_185 {strides = array<i32>} : memref<224x256xf32, #tpu.memory_space<vmem>>, vector<16xf32>,
        %add3A_217 = arith.constant 0 : i32
        %add3A_218 = arith.addi %add3A_180, %add3A_217 : i32
        %swap3A_219 = arith.index_cast %add3A_218 : i32 to index
        %swap3A_220 = arith.constant 64 : index
        %swap3A_221 = tpu.vector_load %arg7[%swap3A_219, %swap3A_220] {strides = array<i32>} : memref<224x256xf32, #tpu.memory_space<vmem>>, vector<16xf32>,
        tpu.vector_store %arg7[%swap3A_219, %swap3A_220], %gather3A_186 {strides = array<i32>} : memref<224x256xf32, #tpu.memory_space<vmem>>, vector<16xf32>,
        %add3A_222 = arith.constant 0 : i32
        %add3A_223 = arith.addi %add3A_180, %add3A_222 : i32
        %swap3A_224 = arith.index_cast %add3A_223 : i32 to index
        %swap3A_225 = arith.constant 80 : index
        %swap3A_226 = tpu.vector_load %arg7[%swap3A_224, %swap3A_225] {strides = array<i32>} : memref<224x256xf32, #tpu.memory_space<vmem>>, vector<16xf32>,
        tpu.vector_store %arg7[%swap3A_224, %swap3A_225], %gather3A_187 {strides = array<i32>} : memref<224x256xf32, #tpu.memory_space<vmem>>, vector<16xf32>,
        %add3A_227 = arith.constant 0 : i32
        %add3A_228 = arith.addi %add3A_180, %add3A_227 : i32
        %swap3A_229 = arith.index_cast %add3A_228 : i32 to index
        %swap3A_230 = arith.constant 96 : index
        %swap3A_231 = tpu.vector_load %arg7[%swap3A_229, %swap3A_230] {strides = array<i32>} : memref<224x256xf32, #tpu.memory_space<vmem>>, vector<16xf32>,
        tpu.vector_store %arg7[%swap3A_229, %swap3A_230], %gather3A_188 {strides = array<i32>} : memref<224x256xf32, #tpu.memory_space<vmem>>, vector<16xf32>,
        %add3A_232 = arith.constant 0 : i32
        %add3A_233 = arith.addi %add3A_180, %add3A_232 : i32
        %swap3A_234 = arith.index_cast %add3A_233 : i32 to index
        %swap3A_235 = arith.constant 112 : index
        %swap3A_236 = tpu.vector_load %arg7[%swap3A_234, %swap3A_235] {strides = array<i32>} : memref<224x256xf32, #tpu.memory_space<vmem>>, vector<16xf32>,
        tpu.vector_store %arg7[%swap3A_234, %swap3A_235], %gather3A_189 {strides = array<i32>} : memref<224x256xf32, #tpu.memory_space<vmem>>, vector<16xf32>,
        %add3A_237 = arith.constant 0 : i32
        %add3A_238 = arith.addi %add3A_180, %add3A_237 : i32
        %swap3A_239 = arith.index_cast %add3A_238 : i32 to index
        %swap3A_240 = arith.constant 128 : index
        %swap3A_241 = tpu.vector_load %arg7[%swap3A_239, %swap3A_240] {strides = array<i32>} : memref<224x256xf32, #tpu.memory_space<vmem>>, vector<16xf32>,
        tpu.vector_store %arg7[%swap3A_239, %swap3A_240], %gather3A_190 {strides = array<i32>} : memref<224x256xf32, #tpu.memory_space<vmem>>, vector<16xf32>,
        %add3A_242 = arith.constant 0 : i32
        %add3A_243 = arith.addi %add3A_180, %add3A_242 : i32
        %swap3A_244 = arith.index_cast %add3A_243 : i32 to index
        %swap3A_245 = arith.constant 144 : index
        %swap3A_246 = tpu.vector_load %arg7[%swap3A_244, %swap3A_245] {strides = array<i32>} : memref<224x256xf32, #tpu.memory_space<vmem>>, vector<16xf32>,
        tpu.vector_store %arg7[%swap3A_244, %swap3A_245], %gather3A_191 {strides = array<i32>} : memref<224x256xf32, #tpu.memory_space<vmem>>, vector<16xf32>,
        %add3A_247 = arith.constant 0 : i32
        %add3A_248 = arith.addi %add3A_180, %add3A_247 : i32
        %swap3A_249 = arith.index_cast %add3A_248 : i32 to index
        %swap3A_250 = arith.constant 160 : index
        %swap3A_251 = tpu.vector_load %arg7[%swap3A_249, %swap3A_250] {strides = array<i32>} : memref<224x256xf32, #tpu.memory_space<vmem>>, vector<16xf32>,
        tpu.vector_store %arg7[%swap3A_249, %swap3A_250], %gather3A_192 {strides = array<i32>} : memref<224x256xf32, #tpu.memory_space<vmem>>, vector<16xf32>,
        %add3A_252 = arith.constant 0 : i32
        %add3A_253 = arith.addi %add3A_180, %add3A_252 : i32
        %swap3A_254 = arith.index_cast %add3A_253 : i32 to index
        %swap3A_255 = arith.constant 176 : index
        %swap3A_256 = tpu.vector_load %arg7[%swap3A_254, %swap3A_255] {strides = array<i32>} : memref<224x256xf32, #tpu.memory_space<vmem>>, vector<16xf32>,
        tpu.vector_store %arg7[%swap3A_254, %swap3A_255], %gather3A_193 {strides = array<i32>} : memref<224x256xf32, #tpu.memory_space<vmem>>, vector<16xf32>,
        %add3A_257 = arith.constant 0 : i32
        %add3A_258 = arith.addi %add3A_180, %add3A_257 : i32
        %swap3A_259 = arith.index_cast %add3A_258 : i32 to index
        %swap3A_260 = arith.constant 192 : index
        %swap3A_261 = tpu.vector_load %arg7[%swap3A_259, %swap3A_260] {strides = array<i32>} : memref<224x256xf32, #tpu.memory_space<vmem>>, vector<16xf32>,
        tpu.vector_store %arg7[%swap3A_259, %swap3A_260], %gather3A_194 {strides = array<i32>} : memref<224x256xf32, #tpu.memory_space<vmem>>, vector<16xf32>,
        %add3A_262 = arith.constant 0 : i32
        %add3A_263 = arith.addi %add3A_180, %add3A_262 : i32
        %swap3A_264 = arith.index_cast %add3A_263 : i32 to index
        %swap3A_265 = arith.constant 208 : index
        %swap3A_266 = tpu.vector_load %arg7[%swap3A_264, %swap3A_265] {strides = array<i32>} : memref<224x256xf32, #tpu.memory_space<vmem>>, vector<16xf32>,
        tpu.vector_store %arg7[%swap3A_264, %swap3A_265], %gather3A_195 {strides = array<i32>} : memref<224x256xf32, #tpu.memory_space<vmem>>, vector<16xf32>,
        %add3A_267 = arith.constant 0 : i32
        %add3A_268 = arith.addi %add3A_180, %add3A_267 : i32
        %swap3A_269 = arith.index_cast %add3A_268 : i32 to index
        %swap3A_270 = arith.constant 224 : index
        %swap3A_271 = tpu.vector_load %arg7[%swap3A_269, %swap3A_270] {strides = array<i32>} : memref<224x256xf32, #tpu.memory_space<vmem>>, vector<16xf32>,
        tpu.vector_store %arg7[%swap3A_269, %swap3A_270], %gather3A_196 {strides = array<i32>} : memref<224x256xf32, #tpu.memory_space<vmem>>, vector<16xf32>,
        %add3A_272 = arith.constant 0 : i32
        %add3A_273 = arith.addi %add3A_180, %add3A_272 : i32
        %swap3A_274 = arith.index_cast %add3A_273 : i32 to index
        %swap3A_275 = arith.constant 240 : index
        %swap3A_276 = tpu.vector_load %arg7[%swap3A_274, %swap3A_275] {strides = array<i32>} : memref<224x256xf32, #tpu.memory_space<vmem>>, vector<16xf32>,
        tpu.vector_store %arg7[%swap3A_274, %swap3A_275], %gather3A_197 {strides = array<i32>} : memref<224x256xf32, #tpu.memory_space<vmem>>, vector<16xf32>,
        %add3A_277 = arith.constant 1 : i32
        %add3A_278 = arith.addi %add3A_180, %add3A_277 : i32
        %broadcast_in_dim3A_279 = vector.broadcast %add3A_278 : i32 to vector<16xi32>
        %gather3A_280 = tpu.vector_load_idx %arg6[%broadcast_in_dim3A_279, %get3A_1] : memref<224x256xf32, #tpu.memory_space<vmem>>[vector<16xi32>, vector<16xi32>], vector<16xf32>,
        %gather3A_281 = tpu.vector_load_idx %arg6[%broadcast_in_dim3A_279, %get3A_3] : memref<224x256xf32, #tpu.memory_space<vmem>>[vector<16xi32>, vector<16xi32>], vector<16xf32>,
        %gather3A_282 = tpu.vector_load_idx %arg6[%broadcast_in_dim3A_279, %get3A_5] : memref<224x256xf32, #tpu.memory_space<vmem>>[vector<16xi32>, vector<16xi32>], vector<16xf32>,
        %gather3A_283 = tpu.vector_load_idx %arg6[%broadcast_in_dim3A_279, %get3A_7] : memref<224x256xf32, #tpu.memory_space<vmem>>[vector<16xi32>, vector<16xi32>], vector<16xf32>,
        %gather3A_284 = tpu.vector_load_idx %arg6[%broadcast_in_dim3A_279, %get3A_9] : memref<224x256xf32, #tpu.memory_space<vmem>>[vector<16xi32>, vector<16xi32>], vector<16xf32>,
        %gather3A_285 = tpu.vector_load_idx %arg6[%broadcast_in_dim3A_279, %get3A_11] : memref<224x256xf32, #tpu.memory_space<vmem>>[vector<16xi32>, vector<16xi32>], vector<16xf32>,
        %gather3A_286 = tpu.vector_load_idx %arg6[%broadcast_in_dim3A_279, %get3A_13] : memref<224x256xf32, #tpu.memory_space<vmem>>[vector<16xi32>, vector<16xi32>], vector<16xf32>,
        %gather3A_287 = tpu.vector_load_idx %arg6[%broadcast_in_dim3A_279, %get3A_15] : memref<224x256xf32, #tpu.memory_space<vmem>>[vector<16xi32>, vector<16xi32>], vector<16xf32>,
        %gather3A_288 = tpu.vector_load_idx %arg6[%broadcast_in_dim3A_279, %get3A_17] : memref<224x256xf32, #tpu.memory_space<vmem>>[vector<16xi32>, vector<16xi32>], vector<16xf32>,
        %gather3A_289 = tpu.vector_load_idx %arg6[%broadcast_in_dim3A_279, %get3A_19] : memref<224x256xf32, #tpu.memory_space<vmem>>[vector<16xi32>, vector<16xi32>], vector<16xf32>,
        %gather3A_290 = tpu.vector_load_idx %arg6[%broadcast_in_dim3A_279, %get3A_21] : memref<224x256xf32, #tpu.memory_space<vmem>>[vector<16xi32>, vector<16xi32>], vector<16xf32>,
        %gather3A_291 = tpu.vector_load_idx %arg6[%broadcast_in_dim3A_279, %get3A_23] : memref<224x256xf32, #tpu.memory_space<vmem>>[vector<16xi32>, vector<16xi32>], vector<16xf32>,
        %gather3A_292 = tpu.vector_load_idx %arg6[%broadcast_in_dim3A_279, %get3A_25] : memref<224x256xf32, #tpu.memory_space<vmem>>[vector<16xi32>, vector<16xi32>], vector<16xf32>,
        %gather3A_293 = tpu.vector_load_idx %arg6[%broadcast_in_dim3A_279, %get3A_27] : memref<224x256xf32, #tpu.memory_space<vmem>>[vector<16xi32>, vector<16xi32>], vector<16xf32>,
        %gather3A_294 = tpu.vector_load_idx %arg6[%broadcast_in_dim3A_279, %get3A_29] : memref<224x256xf32, #tpu.memory_space<vmem>>[vector<16xi32>, vector<16xi32>], vector<16xf32>,
        %gather3A_295 = tpu.vector_load_idx %arg6[%broadcast_in_dim3A_279, %get3A_31] : memref<224x256xf32, #tpu.memory_space<vmem>>[vector<16xi32>, vector<16xi32>], vector<16xf32>,
        %add3A_296 = arith.constant 1 : i32
        %add3A_297 = arith.addi %add3A_180, %add3A_296 : i32
        %swap3A_298 = arith.index_cast %add3A_297 : i32 to index
        %swap3A_299 = arith.constant 0 : index
        %swap3A_300 = tpu.vector_load %arg7[%swap3A_298, %swap3A_299] {strides = array<i32>} : memref<224x256xf32, #tpu.memory_space<vmem>>, vector<16xf32>,
        tpu.vector_store %arg7[%swap3A_298, %swap3A_299], %gather3A_280 {strides = array<i32>} : memref<224x256xf32, #tpu.memory_space<vmem>>, vector<16xf32>,
        %add3A_301 = arith.constant 1 : i32
        %add3A_302 = arith.addi %add3A_180, %add3A_301 : i32
        %swap3A_303 = arith.index_cast %add3A_302 : i32 to index
        %swap3A_304 = arith.constant 16 : index
        %swap3A_305 = tpu.vector_load %arg7[%swap3A_303, %swap3A_304] {strides = array<i32>} : memref<224x256xf32, #tpu.memory_space<vmem>>, vector<16xf32>,
        tpu.vector_store %arg7[%swap3A_303, %swap3A_304], %gather3A_281 {strides = array<i32>} : memref<224x256xf32, #tpu.memory_space<vmem>>, vector<16xf32>,
        %add3A_306 = arith.constant 1 : i32
        %add3A_307 = arith.addi %add3A_180, %add3A_306 : i32
        %swap3A_308 = arith.index_cast %add3A_307 : i32 to index
        %swap3A_309 = arith.constant 32 : index
        %swap3A_310 = tpu.vector_load %arg7[%swap3A_308, %swap3A_309] {strides = array<i32>} : memref<224x256xf32, #tpu.memory_space<vmem>>, vector<16xf32>,
        tpu.vector_store %arg7[%swap3A_308, %swap3A_309], %gather3A_282 {strides = array<i32>} : memref<224x256xf32, #tpu.memory_space<vmem>>, vector<16xf32>,
        %add3A_311 = arith.constant 1 : i32
        %add3A_312 = arith.addi %add3A_180, %add3A_311 : i32
        %swap3A_313 = arith.index_cast %add3A_312 : i32 to index
        %swap3A_314 = arith.constant 48 : index
        %swap3A_315 = tpu.vector_load %arg7[%swap3A_313, %swap3A_314] {strides = array<i32>} : memref<224x256xf32, #tpu.memory_space<vmem>>, vector<16xf32>,
        tpu.vector_store %arg7[%swap3A_313, %swap3A_314], %gather3A_283 {strides = array<i32>} : memref<224x256xf32, #tpu.memory_space<vmem>>, vector<16xf32>,
        %add3A_316 = arith.constant 1 : i32
        %add3A_317 = arith.addi %add3A_180, %add3A_316 : i32
        %swap3A_318 = arith.index_cast %add3A_317 : i32 to index
        %swap3A_319 = arith.constant 64 : index
        %swap3A_320 = tpu.vector_load %arg7[%swap3A_318, %swap3A_319] {strides = array<i32>} : memref<224x256xf32, #tpu.memory_space<vmem>>, vector<16xf32>,
        tpu.vector_store %arg7[%swap3A_318, %swap3A_319], %gather3A_284 {strides = array<i32>} : memref<224x256xf32, #tpu.memory_space<vmem>>, vector<16xf32>,
        %add3A_321 = arith.constant 1 : i32
        %add3A_322 = arith.addi %add3A_180, %add3A_321 : i32
        %swap3A_323 = arith.index_cast %add3A_322 : i32 to index
        %swap3A_324 = arith.constant 80 : index
        %swap3A_325 = tpu.vector_load %arg7[%swap3A_323, %swap3A_324] {strides = array<i32>} : memref<224x256xf32, #tpu.memory_space<vmem>>, vector<16xf32>,
        tpu.vector_store %arg7[%swap3A_323, %swap3A_324], %gather3A_285 {strides = array<i32>} : memref<224x256xf32, #tpu.memory_space<vmem>>, vector<16xf32>,
        %add3A_326 = arith.constant 1 : i32
        %add3A_327 = arith.addi %add3A_180, %add3A_326 : i32
        %swap3A_328 = arith.index_cast %add3A_327 : i32 to index
        %swap3A_329 = arith.constant 96 : index
        %swap3A_330 = tpu.vector_load %arg7[%swap3A_328, %swap3A_329] {strides = array<i32>} : memref<224x256xf32, #tpu.memory_space<vmem>>, vector<16xf32>,
        tpu.vector_store %arg7[%swap3A_328, %swap3A_329], %gather3A_286 {strides = array<i32>} : memref<224x256xf32, #tpu.memory_space<vmem>>, vector<16xf32>,
        %add3A_331 = arith.constant 1 : i32
        %add3A_332 = arith.addi %add3A_180, %add3A_331 : i32
        %swap3A_333 = arith.index_cast %add3A_332 : i32 to index
        %swap3A_334 = arith.constant 112 : index
        %swap3A_335 = tpu.vector_load %arg7[%swap3A_333, %swap3A_334] {strides = array<i32>} : memref<224x256xf32, #tpu.memory_space<vmem>>, vector<16xf32>,
        tpu.vector_store %arg7[%swap3A_333, %swap3A_334], %gather3A_287 {strides = array<i32>} : memref<224x256xf32, #tpu.memory_space<vmem>>, vector<16xf32>,
        %add3A_336 = arith.constant 1 : i32
        %add3A_337 = arith.addi %add3A_180, %add3A_336 : i32
        %swap3A_338 = arith.index_cast %add3A_337 : i32 to index
        %swap3A_339 = arith.constant 128 : index
        %swap3A_340 = tpu.vector_load %arg7[%swap3A_338, %swap3A_339] {strides = array<i32>} : memref<224x256xf32, #tpu.memory_space<vmem>>, vector<16xf32>,
        tpu.vector_store %arg7[%swap3A_338, %swap3A_339], %gather3A_288 {strides = array<i32>} : memref<224x256xf32, #tpu.memory_space<vmem>>, vector<16xf32>,
        %add3A_341 = arith.constant 1 : i32
        %add3A_342 = arith.addi %add3A_180, %add3A_341 : i32
        %swap3A_343 = arith.index_cast %add3A_342 : i32 to index
        %swap3A_344 = arith.constant 144 : index
        %swap3A_345 = tpu.vector_load %arg7[%swap3A_343, %swap3A_344] {strides = array<i32>} : memref<224x256xf32, #tpu.memory_space<vmem>>, vector<16xf32>,
        tpu.vector_store %arg7[%swap3A_343, %swap3A_344], %gather3A_289 {strides = array<i32>} : memref<224x256xf32, #tpu.memory_space<vmem>>, vector<16xf32>,
        %add3A_346 = arith.constant 1 : i32
        %add3A_347 = arith.addi %add3A_180, %add3A_346 : i32
        %swap3A_348 = arith.index_cast %add3A_347 : i32 to index
        %swap3A_349 = arith.constant 160 : index
        %swap3A_350 = tpu.vector_load %arg7[%swap3A_348, %swap3A_349] {strides = array<i32>} : memref<224x256xf32, #tpu.memory_space<vmem>>, vector<16xf32>,
        tpu.vector_store %arg7[%swap3A_348, %swap3A_349], %gather3A_290 {strides = array<i32>} : memref<224x256xf32, #tpu.memory_space<vmem>>, vector<16xf32>,
        %add3A_351 = arith.constant 1 : i32
        %add3A_352 = arith.addi %add3A_180, %add3A_351 : i32
        %swap3A_353 = arith.index_cast %add3A_352 : i32 to index
        %swap3A_354 = arith.constant 176 : index
        %swap3A_355 = tpu.vector_load %arg7[%swap3A_353, %swap3A_354] {strides = array<i32>} : memref<224x256xf32, #tpu.memory_space<vmem>>, vector<16xf32>,
        tpu.vector_store %arg7[%swap3A_353, %swap3A_354], %gather3A_291 {strides = array<i32>} : memref<224x256xf32, #tpu.memory_space<vmem>>, vector<16xf32>,
        %add3A_356 = arith.constant 1 : i32
        %add3A_357 = arith.addi %add3A_180, %add3A_356 : i32
        %swap3A_358 = arith.index_cast %add3A_357 : i32 to index
        %swap3A_359 = arith.constant 192 : index
        %swap3A_360 = tpu.vector_load %arg7[%swap3A_358, %swap3A_359] {strides = array<i32>} : memref<224x256xf32, #tpu.memory_space<vmem>>, vector<16xf32>,
        tpu.vector_store %arg7[%swap3A_358, %swap3A_359], %gather3A_292 {strides = array<i32>} : memref<224x256xf32, #tpu.memory_space<vmem>>, vector<16xf32>,
        %add3A_361 = arith.constant 1 : i32
        %add3A_362 = arith.addi %add3A_180, %add3A_361 : i32
        %swap3A_363 = arith.index_cast %add3A_362 : i32 to index
        %swap3A_364 = arith.constant 208 : index
        %swap3A_365 = tpu.vector_load %arg7[%swap3A_363, %swap3A_364] {strides = array<i32>} : memref<224x256xf32, #tpu.memory_space<vmem>>, vector<16xf32>,
        tpu.vector_store %arg7[%swap3A_363, %swap3A_364], %gather3A_293 {strides = array<i32>} : memref<224x256xf32, #tpu.memory_space<vmem>>, vector<16xf32>,
        %add3A_366 = arith.constant 1 : i32
        %add3A_367 = arith.addi %add3A_180, %add3A_366 : i32
        %swap3A_368 = arith.index_cast %add3A_367 : i32 to index
        %swap3A_369 = arith.constant 224 : index
        %swap3A_370 = tpu.vector_load %arg7[%swap3A_368, %swap3A_369] {strides = array<i32>} : memref<224x256xf32, #tpu.memory_space<vmem>>, vector<16xf32>,
        tpu.vector_store %arg7[%swap3A_368, %swap3A_369], %gather3A_294 {strides = array<i32>} : memref<224x256xf32, #tpu.memory_space<vmem>>, vector<16xf32>,
        %add3A_371 = arith.constant 1 : i32
        %add3A_372 = arith.addi %add3A_180, %add3A_371 : i32
        %swap3A_373 = arith.index_cast %add3A_372 : i32 to index
        %swap3A_374 = arith.constant 240 : index
        %swap3A_375 = tpu.vector_load %arg7[%swap3A_373, %swap3A_374] {strides = array<i32>} : memref<224x256xf32, #tpu.memory_space<vmem>>, vector<16xf32>,
        tpu.vector_store %arg7[%swap3A_373, %swap3A_374], %gather3A_295 {strides = array<i32>} : memref<224x256xf32, #tpu.memory_space<vmem>>, vector<16xf32>,
        %add3A_376 = arith.constant 2 : i32
        %add3A_377 = arith.addi %add3A_180, %add3A_376 : i32
        %broadcast_in_dim3A_378 = vector.broadcast %add3A_377 : i32 to vector<16xi32>
        %gather3A_379 = tpu.vector_load_idx %arg6[%broadcast_in_dim3A_378, %get3A_1] : memref<224x256xf32, #tpu.memory_space<vmem>>[vector<16xi32>, vector<16xi32>], vector<16xf32>,
        %gather3A_380 = tpu.vector_load_idx %arg6[%broadcast_in_dim3A_378, %get3A_3] : memref<224x256xf32, #tpu.memory_space<vmem>>[vector<16xi32>, vector<16xi32>], vector<16xf32>,
        %gather3A_381 = tpu.vector_load_idx %arg6[%broadcast_in_dim3A_378, %get3A_5] : memref<224x256xf32, #tpu.memory_space<vmem>>[vector<16xi32>, vector<16xi32>], vector<16xf32>,
        %gather3A_382 = tpu.vector_load_idx %arg6[%broadcast_in_dim3A_378, %get3A_7] : memref<224x256xf32, #tpu.memory_space<vmem>>[vector<16xi32>, vector<16xi32>], vector<16xf32>,
        %gather3A_383 = tpu.vector_load_idx %arg6[%broadcast_in_dim3A_378, %get3A_9] : memref<224x256xf32, #tpu.memory_space<vmem>>[vector<16xi32>, vector<16xi32>], vector<16xf32>,
        %gather3A_384 = tpu.vector_load_idx %arg6[%broadcast_in_dim3A_378, %get3A_11] : memref<224x256xf32, #tpu.memory_space<vmem>>[vector<16xi32>, vector<16xi32>], vector<16xf32>,
        %gather3A_385 = tpu.vector_load_idx %arg6[%broadcast_in_dim3A_378, %get3A_13] : memref<224x256xf32, #tpu.memory_space<vmem>>[vector<16xi32>, vector<16xi32>], vector<16xf32>,
        %gather3A_386 = tpu.vector_load_idx %arg6[%broadcast_in_dim3A_378, %get3A_15] : memref<224x256xf32, #tpu.memory_space<vmem>>[vector<16xi32>, vector<16xi32>], vector<16xf32>,
        %gather3A_387 = tpu.vector_load_idx %arg6[%broadcast_in_dim3A_378, %get3A_17] : memref<224x256xf32, #tpu.memory_space<vmem>>[vector<16xi32>, vector<16xi32>], vector<16xf32>,
        %gather3A_388 = tpu.vector_load_idx %arg6[%broadcast_in_dim3A_378, %get3A_19] : memref<224x256xf32, #tpu.memory_space<vmem>>[vector<16xi32>, vector<16xi32>], vector<16xf32>,
        %gather3A_389 = tpu.vector_load_idx %arg6[%broadcast_in_dim3A_378, %get3A_21] : memref<224x256xf32, #tpu.memory_space<vmem>>[vector<16xi32>, vector<16xi32>], vector<16xf32>,
        %gather3A_390 = tpu.vector_load_idx %arg6[%broadcast_in_dim3A_378, %get3A_23] : memref<224x256xf32, #tpu.memory_space<vmem>>[vector<16xi32>, vector<16xi32>], vector<16xf32>,
        %gather3A_391 = tpu.vector_load_idx %arg6[%broadcast_in_dim3A_378, %get3A_25] : memref<224x256xf32, #tpu.memory_space<vmem>>[vector<16xi32>, vector<16xi32>], vector<16xf32>,
        %gather3A_392 = tpu.vector_load_idx %arg6[%broadcast_in_dim3A_378, %get3A_27] : memref<224x256xf32, #tpu.memory_space<vmem>>[vector<16xi32>, vector<16xi32>], vector<16xf32>,
        %gather3A_393 = tpu.vector_load_idx %arg6[%broadcast_in_dim3A_378, %get3A_29] : memref<224x256xf32, #tpu.memory_space<vmem>>[vector<16xi32>, vector<16xi32>], vector<16xf32>,
        %gather3A_394 = tpu.vector_load_idx %arg6[%broadcast_in_dim3A_378, %get3A_31] : memref<224x256xf32, #tpu.memory_space<vmem>>[vector<16xi32>, vector<16xi32>], vector<16xf32>,
        %add3A_395 = arith.constant 2 : i32
        %add3A_396 = arith.addi %add3A_180, %add3A_395 : i32
        %swap3A_397 = arith.index_cast %add3A_396 : i32 to index
        %swap3A_398 = arith.constant 0 : index
        %swap3A_399 = tpu.vector_load %arg7[%swap3A_397, %swap3A_398] {strides = array<i32>} : memref<224x256xf32, #tpu.memory_space<vmem>>, vector<16xf32>,
        tpu.vector_store %arg7[%swap3A_397, %swap3A_398], %gather3A_379 {strides = array<i32>} : memref<224x256xf32, #tpu.memory_space<vmem>>, vector<16xf32>,
        %add3A_400 = arith.constant 2 : i32
        %add3A_401 = arith.addi %add3A_180, %add3A_400 : i32
        %swap3A_402 = arith.index_cast %add3A_401 : i32 to index
        %swap3A_403 = arith.constant 16 : index
        %swap3A_404 = tpu.vector_load %arg7[%swap3A_402, %swap3A_403] {strides = array<i32>} : memref<224x256xf32, #tpu.memory_space<vmem>>, vector<16xf32>,
        tpu.vector_store %arg7[%swap3A_402, %swap3A_403], %gather3A_380 {strides = array<i32>} : memref<224x256xf32, #tpu.memory_space<vmem>>, vector<16xf32>,
        %add3A_405 = arith.constant 2 : i32
        %add3A_406 = arith.addi %add3A_180, %add3A_405 : i32
        %swap3A_407 = arith.index_cast %add3A_406 : i32 to index
        %swap3A_408 = arith.constant 32 : index
        %swap3A_409 = tpu.vector_load %arg7[%swap3A_407, %swap3A_408] {strides = array<i32>} : memref<224x256xf32, #tpu.memory_space<vmem>>, vector<16xf32>,
        tpu.vector_store %arg7[%swap3A_407, %swap3A_408], %gather3A_381 {strides = array<i32>} : memref<224x256xf32, #tpu.memory_space<vmem>>, vector<16xf32>,
        %add3A_410 = arith.constant 2 : i32
        %add3A_411 = arith.addi %add3A_180, %add3A_410 : i32
        %swap3A_412 = arith.index_cast %add3A_411 : i32 to index
        %swap3A_413 = arith.constant 48 : index
        %swap3A_414 = tpu.vector_load %arg7[%swap3A_412, %swap3A_413] {strides = array<i32>} : memref<224x256xf32, #tpu.memory_space<vmem>>, vector<16xf32>,
        tpu.vector_store %arg7[%swap3A_412, %swap3A_413], %gather3A_382 {strides = array<i32>} : memref<224x256xf32, #tpu.memory_space<vmem>>, vector<16xf32>,
        %add3A_415 = arith.constant 2 : i32
        %add3A_416 = arith.addi %add3A_180, %add3A_415 : i32
        %swap3A_417 = arith.index_cast %add3A_416 : i32 to index
        %swap3A_418 = arith.constant 64 : index
        %swap3A_419 = tpu.vector_load %arg7[%swap3A_417, %swap3A_418] {strides = array<i32>} : memref<224x256xf32, #tpu.memory_space<vmem>>, vector<16xf32>,
        tpu.vector_store %arg7[%swap3A_417, %swap3A_418], %gather3A_383 {strides = array<i32>} : memref<224x256xf32, #tpu.memory_space<vmem>>, vector<16xf32>,
        %add3A_420 = arith.constant 2 : i32
        %add3A_421 = arith.addi %add3A_180, %add3A_420 : i32
        %swap3A_422 = arith.index_cast %add3A_421 : i32 to index
        %swap3A_423 = arith.constant 80 : index
        %swap3A_424 = tpu.vector_load %arg7[%swap3A_422, %swap3A_423] {strides = array<i32>} : memref<224x256xf32, #tpu.memory_space<vmem>>, vector<16xf32>,
        tpu.vector_store %arg7[%swap3A_422, %swap3A_423], %gather3A_384 {strides = array<i32>} : memref<224x256xf32, #tpu.memory_space<vmem>>, vector<16xf32>,
        %add3A_425 = arith.constant 2 : i32
        %add3A_426 = arith.addi %add3A_180, %add3A_425 : i32
        %swap3A_427 = arith.index_cast %add3A_426 : i32 to index
        %swap3A_428 = arith.constant 96 : index
        %swap3A_429 = tpu.vector_load %arg7[%swap3A_427, %swap3A_428] {strides = array<i32>} : memref<224x256xf32, #tpu.memory_space<vmem>>, vector<16xf32>,
        tpu.vector_store %arg7[%swap3A_427, %swap3A_428], %gather3A_385 {strides = array<i32>} : memref<224x256xf32, #tpu.memory_space<vmem>>, vector<16xf32>,
        %add3A_430 = arith.constant 2 : i32
        %add3A_431 = arith.addi %add3A_180, %add3A_430 : i32
        %swap3A_432 = arith.index_cast %add3A_431 : i32 to index
        %swap3A_433 = arith.constant 112 : index
        %swap3A_434 = tpu.vector_load %arg7[%swap3A_432, %swap3A_433] {strides = array<i32>} : memref<224x256xf32, #tpu.memory_space<vmem>>, vector<16xf32>,
        tpu.vector_store %arg7[%swap3A_432, %swap3A_433], %gather3A_386 {strides = array<i32>} : memref<224x256xf32, #tpu.memory_space<vmem>>, vector<16xf32>,
        %add3A_435 = arith.constant 2 : i32
        %add3A_436 = arith.addi %add3A_180, %add3A_435 : i32
        %swap3A_437 = arith.index_cast %add3A_436 : i32 to index
        %swap3A_438 = arith.constant 128 : index
        %swap3A_439 = tpu.vector_load %arg7[%swap3A_437, %swap3A_438] {strides = array<i32>} : memref<224x256xf32, #tpu.memory_space<vmem>>, vector<16xf32>,
        tpu.vector_store %arg7[%swap3A_437, %swap3A_438], %gather3A_387 {strides = array<i32>} : memref<224x256xf32, #tpu.memory_space<vmem>>, vector<16xf32>,
        %add3A_440 = arith.constant 2 : i32
        %add3A_441 = arith.addi %add3A_180, %add3A_440 : i32
        %swap3A_442 = arith.index_cast %add3A_441 : i32 to index
        %swap3A_443 = arith.constant 144 : index
        %swap3A_444 = tpu.vector_load %arg7[%swap3A_442, %swap3A_443] {strides = array<i32>} : memref<224x256xf32, #tpu.memory_space<vmem>>, vector<16xf32>,
        tpu.vector_store %arg7[%swap3A_442, %swap3A_443], %gather3A_388 {strides = array<i32>} : memref<224x256xf32, #tpu.memory_space<vmem>>, vector<16xf32>,
        %add3A_445 = arith.constant 2 : i32
        %add3A_446 = arith.addi %add3A_180, %add3A_445 : i32
        %swap3A_447 = arith.index_cast %add3A_446 : i32 to index
        %swap3A_448 = arith.constant 160 : index
        %swap3A_449 = tpu.vector_load %arg7[%swap3A_447, %swap3A_448] {strides = array<i32>} : memref<224x256xf32, #tpu.memory_space<vmem>>, vector<16xf32>,
        tpu.vector_store %arg7[%swap3A_447, %swap3A_448], %gather3A_389 {strides = array<i32>} : memref<224x256xf32, #tpu.memory_space<vmem>>, vector<16xf32>,
        %add3A_450 = arith.constant 2 : i32
        %add3A_451 = arith.addi %add3A_180, %add3A_450 : i32
        %swap3A_452 = arith.index_cast %add3A_451 : i32 to index
        %swap3A_453 = arith.constant 176 : index
        %swap3A_454 = tpu.vector_load %arg7[%swap3A_452, %swap3A_453] {strides = array<i32>} : memref<224x256xf32, #tpu.memory_space<vmem>>, vector<16xf32>,
        tpu.vector_store %arg7[%swap3A_452, %swap3A_453], %gather3A_390 {strides = array<i32>} : memref<224x256xf32, #tpu.memory_space<vmem>>, vector<16xf32>,
        %add3A_455 = arith.constant 2 : i32
        %add3A_456 = arith.addi %add3A_180, %add3A_455 : i32
        %swap3A_457 = arith.index_cast %add3A_456 : i32 to index
        %swap3A_458 = arith.constant 192 : index
        %swap3A_459 = tpu.vector_load %arg7[%swap3A_457, %swap3A_458] {strides = array<i32>} : memref<224x256xf32, #tpu.memory_space<vmem>>, vector<16xf32>,
        tpu.vector_store %arg7[%swap3A_457, %swap3A_458], %gather3A_391 {strides = array<i32>} : memref<224x256xf32, #tpu.memory_space<vmem>>, vector<16xf32>,
        %add3A_460 = arith.constant 2 : i32
        %add3A_461 = arith.addi %add3A_180, %add3A_460 : i32
        %swap3A_462 = arith.index_cast %add3A_461 : i32 to index
        %swap3A_463 = arith.constant 208 : index
        %swap3A_464 = tpu.vector_load %arg7[%swap3A_462, %swap3A_463] {strides = array<i32>} : memref<224x256xf32, #tpu.memory_space<vmem>>, vector<16xf32>,
        tpu.vector_store %arg7[%swap3A_462, %swap3A_463], %gather3A_392 {strides = array<i32>} : memref<224x256xf32, #tpu.memory_space<vmem>>, vector<16xf32>,
        %add3A_465 = arith.constant 2 : i32
        %add3A_466 = arith.addi %add3A_180, %add3A_465 : i32
        %swap3A_467 = arith.index_cast %add3A_466 : i32 to index
        %swap3A_468 = arith.constant 224 : index
        %swap3A_469 = tpu.vector_load %arg7[%swap3A_467, %swap3A_468] {strides = array<i32>} : memref<224x256xf32, #tpu.memory_space<vmem>>, vector<16xf32>,
        tpu.vector_store %arg7[%swap3A_467, %swap3A_468], %gather3A_393 {strides = array<i32>} : memref<224x256xf32, #tpu.memory_space<vmem>>, vector<16xf32>,
        %add3A_470 = arith.constant 2 : i32
        %add3A_471 = arith.addi %add3A_180, %add3A_470 : i32
        %swap3A_472 = arith.index_cast %add3A_471 : i32 to index
        %swap3A_473 = arith.constant 240 : index
        %swap3A_474 = tpu.vector_load %arg7[%swap3A_472, %swap3A_473] {strides = array<i32>} : memref<224x256xf32, #tpu.memory_space<vmem>>, vector<16xf32>,
        tpu.vector_store %arg7[%swap3A_472, %swap3A_473], %gather3A_394 {strides = array<i32>} : memref<224x256xf32, #tpu.memory_space<vmem>>, vector<16xf32>,
        %add3A_475 = arith.constant 3 : i32
        %add3A_476 = arith.addi %add3A_180, %add3A_475 : i32
        %broadcast_in_dim3A_477 = vector.broadcast %add3A_476 : i32 to vector<16xi32>
        %gather3A_478 = tpu.vector_load_idx %arg6[%broadcast_in_dim3A_477, %get3A_1] : memref<224x256xf32, #tpu.memory_space<vmem>>[vector<16xi32>, vector<16xi32>], vector<16xf32>,
        %gather3A_479 = tpu.vector_load_idx %arg6[%broadcast_in_dim3A_477, %get3A_3] : memref<224x256xf32, #tpu.memory_space<vmem>>[vector<16xi32>, vector<16xi32>], vector<16xf32>,
        %gather3A_480 = tpu.vector_load_idx %arg6[%broadcast_in_dim3A_477, %get3A_5] : memref<224x256xf32, #tpu.memory_space<vmem>>[vector<16xi32>, vector<16xi32>], vector<16xf32>,
        %gather3A_481 = tpu.vector_load_idx %arg6[%broadcast_in_dim3A_477, %get3A_7] : memref<224x256xf32, #tpu.memory_space<vmem>>[vector<16xi32>, vector<16xi32>], vector<16xf32>,
        %gather3A_482 = tpu.vector_load_idx %arg6[%broadcast_in_dim3A_477, %get3A_9] : memref<224x256xf32, #tpu.memory_space<vmem>>[vector<16xi32>, vector<16xi32>], vector<16xf32>,
        %gather3A_483 = tpu.vector_load_idx %arg6[%broadcast_in_dim3A_477, %get3A_11] : memref<224x256xf32, #tpu.memory_space<vmem>>[vector<16xi32>, vector<16xi32>], vector<16xf32>,
        %gather3A_484 = tpu.vector_load_idx %arg6[%broadcast_in_dim3A_477, %get3A_13] : memref<224x256xf32, #tpu.memory_space<vmem>>[vector<16xi32>, vector<16xi32>], vector<16xf32>,
        %gather3A_485 = tpu.vector_load_idx %arg6[%broadcast_in_dim3A_477, %get3A_15] : memref<224x256xf32, #tpu.memory_space<vmem>>[vector<16xi32>, vector<16xi32>], vector<16xf32>,
        %gather3A_486 = tpu.vector_load_idx %arg6[%broadcast_in_dim3A_477, %get3A_17] : memref<224x256xf32, #tpu.memory_space<vmem>>[vector<16xi32>, vector<16xi32>], vector<16xf32>,
        %gather3A_487 = tpu.vector_load_idx %arg6[%broadcast_in_dim3A_477, %get3A_19] : memref<224x256xf32, #tpu.memory_space<vmem>>[vector<16xi32>, vector<16xi32>], vector<16xf32>,
        %gather3A_488 = tpu.vector_load_idx %arg6[%broadcast_in_dim3A_477, %get3A_21] : memref<224x256xf32, #tpu.memory_space<vmem>>[vector<16xi32>, vector<16xi32>], vector<16xf32>,
        %gather3A_489 = tpu.vector_load_idx %arg6[%broadcast_in_dim3A_477, %get3A_23] : memref<224x256xf32, #tpu.memory_space<vmem>>[vector<16xi32>, vector<16xi32>], vector<16xf32>,
        %gather3A_490 = tpu.vector_load_idx %arg6[%broadcast_in_dim3A_477, %get3A_25] : memref<224x256xf32, #tpu.memory_space<vmem>>[vector<16xi32>, vector<16xi32>], vector<16xf32>,
        %gather3A_491 = tpu.vector_load_idx %arg6[%broadcast_in_dim3A_477, %get3A_27] : memref<224x256xf32, #tpu.memory_space<vmem>>[vector<16xi32>, vector<16xi32>], vector<16xf32>,
        %gather3A_492 = tpu.vector_load_idx %arg6[%broadcast_in_dim3A_477, %get3A_29] : memref<224x256xf32, #tpu.memory_space<vmem>>[vector<16xi32>, vector<16xi32>], vector<16xf32>,
        %gather3A_493 = tpu.vector_load_idx %arg6[%broadcast_in_dim3A_477, %get3A_31] : memref<224x256xf32, #tpu.memory_space<vmem>>[vector<16xi32>, vector<16xi32>], vector<16xf32>,
        %add3A_494 = arith.constant 3 : i32
        %add3A_495 = arith.addi %add3A_180, %add3A_494 : i32
        %swap3A_496 = arith.index_cast %add3A_495 : i32 to index
        %swap3A_497 = arith.constant 0 : index
        %swap3A_498 = tpu.vector_load %arg7[%swap3A_496, %swap3A_497] {strides = array<i32>} : memref<224x256xf32, #tpu.memory_space<vmem>>, vector<16xf32>,
        tpu.vector_store %arg7[%swap3A_496, %swap3A_497], %gather3A_478 {strides = array<i32>} : memref<224x256xf32, #tpu.memory_space<vmem>>, vector<16xf32>,
        %add3A_499 = arith.constant 3 : i32
        %add3A_500 = arith.addi %add3A_180, %add3A_499 : i32
        %swap3A_501 = arith.index_cast %add3A_500 : i32 to index
        %swap3A_502 = arith.constant 16 : index
        %swap3A_503 = tpu.vector_load %arg7[%swap3A_501, %swap3A_502] {strides = array<i32>} : memref<224x256xf32, #tpu.memory_space<vmem>>, vector<16xf32>,
        tpu.vector_store %arg7[%swap3A_501, %swap3A_502], %gather3A_479 {strides = array<i32>} : memref<224x256xf32, #tpu.memory_space<vmem>>, vector<16xf32>,
        %add3A_504 = arith.constant 3 : i32
        %add3A_505 = arith.addi %add3A_180, %add3A_504 : i32
        %swap3A_506 = arith.index_cast %add3A_505 : i32 to index
        %swap3A_507 = arith.constant 32 : index
        %swap3A_508 = tpu.vector_load %arg7[%swap3A_506, %swap3A_507] {strides = array<i32>} : memref<224x256xf32, #tpu.memory_space<vmem>>, vector<16xf32>,
        tpu.vector_store %arg7[%swap3A_506, %swap3A_507], %gather3A_480 {strides = array<i32>} : memref<224x256xf32, #tpu.memory_space<vmem>>, vector<16xf32>,
        %add3A_509 = arith.constant 3 : i32
        %add3A_510 = arith.addi %add3A_180, %add3A_509 : i32
        %swap3A_511 = arith.index_cast %add3A_510 : i32 to index
        %swap3A_512 = arith.constant 48 : index
        %swap3A_513 = tpu.vector_load %arg7[%swap3A_511, %swap3A_512] {strides = array<i32>} : memref<224x256xf32, #tpu.memory_space<vmem>>, vector<16xf32>,
        tpu.vector_store %arg7[%swap3A_511, %swap3A_512], %gather3A_481 {strides = array<i32>} : memref<224x256xf32, #tpu.memory_space<vmem>>, vector<16xf32>,
        %add3A_514 = arith.constant 3 : i32
        %add3A_515 = arith.addi %add3A_180, %add3A_514 : i32
        %swap3A_516 = arith.index_cast %add3A_515 : i32 to index
        %swap3A_517 = arith.constant 64 : index
        %swap3A_518 = tpu.vector_load %arg7[%swap3A_516, %swap3A_517] {strides = array<i32>} : memref<224x256xf32, #tpu.memory_space<vmem>>, vector<16xf32>,
        tpu.vector_store %arg7[%swap3A_516, %swap3A_517], %gather3A_482 {strides = array<i32>} : memref<224x256xf32, #tpu.memory_space<vmem>>, vector<16xf32>,
        %add3A_519 = arith.constant 3 : i32
        %add3A_520 = arith.addi %add3A_180, %add3A_519 : i32
        %swap3A_521 = arith.index_cast %add3A_520 : i32 to index
        %swap3A_522 = arith.constant 80 : index
        %swap3A_523 = tpu.vector_load %arg7[%swap3A_521, %swap3A_522] {strides = array<i32>} : memref<224x256xf32, #tpu.memory_space<vmem>>, vector<16xf32>,
        tpu.vector_store %arg7[%swap3A_521, %swap3A_522], %gather3A_483 {strides = array<i32>} : memref<224x256xf32, #tpu.memory_space<vmem>>, vector<16xf32>,
        %add3A_524 = arith.constant 3 : i32
        %add3A_525 = arith.addi %add3A_180, %add3A_524 : i32
        %swap3A_526 = arith.index_cast %add3A_525 : i32 to index
        %swap3A_527 = arith.constant 96 : index
        %swap3A_528 = tpu.vector_load %arg7[%swap3A_526, %swap3A_527] {strides = array<i32>} : memref<224x256xf32, #tpu.memory_space<vmem>>, vector<16xf32>,
        tpu.vector_store %arg7[%swap3A_526, %swap3A_527], %gather3A_484 {strides = array<i32>} : memref<224x256xf32, #tpu.memory_space<vmem>>, vector<16xf32>,
        %add3A_529 = arith.constant 3 : i32
        %add3A_530 = arith.addi %add3A_180, %add3A_529 : i32
        %swap3A_531 = arith.index_cast %add3A_530 : i32 to index
        %swap3A_532 = arith.constant 112 : index
        %swap3A_533 = tpu.vector_load %arg7[%swap3A_531, %swap3A_532] {strides = array<i32>} : memref<224x256xf32, #tpu.memory_space<vmem>>, vector<16xf32>,
        tpu.vector_store %arg7[%swap3A_531, %swap3A_532], %gather3A_485 {strides = array<i32>} : memref<224x256xf32, #tpu.memory_space<vmem>>, vector<16xf32>,
        %add3A_534 = arith.constant 3 : i32
        %add3A_535 = arith.addi %add3A_180, %add3A_534 : i32
        %swap3A_536 = arith.index_cast %add3A_535 : i32 to index
        %swap3A_537 = arith.constant 128 : index
        %swap3A_538 = tpu.vector_load %arg7[%swap3A_536, %swap3A_537] {strides = array<i32>} : memref<224x256xf32, #tpu.memory_space<vmem>>, vector<16xf32>,
        tpu.vector_store %arg7[%swap3A_536, %swap3A_537], %gather3A_486 {strides = array<i32>} : memref<224x256xf32, #tpu.memory_space<vmem>>, vector<16xf32>,
        %add3A_539 = arith.constant 3 : i32
        %add3A_540 = arith.addi %add3A_180, %add3A_539 : i32
        %swap3A_541 = arith.index_cast %add3A_540 : i32 to index
        %swap3A_542 = arith.constant 144 : index
        %swap3A_543 = tpu.vector_load %arg7[%swap3A_541, %swap3A_542] {strides = array<i32>} : memref<224x256xf32, #tpu.memory_space<vmem>>, vector<16xf32>,
        tpu.vector_store %arg7[%swap3A_541, %swap3A_542], %gather3A_487 {strides = array<i32>} : memref<224x256xf32, #tpu.memory_space<vmem>>, vector<16xf32>,
        %add3A_544 = arith.constant 3 : i32
        %add3A_545 = arith.addi %add3A_180, %add3A_544 : i32
        %swap3A_546 = arith.index_cast %add3A_545 : i32 to index
        %swap3A_547 = arith.constant 160 : index
        %swap3A_548 = tpu.vector_load %arg7[%swap3A_546, %swap3A_547] {strides = array<i32>} : memref<224x256xf32, #tpu.memory_space<vmem>>, vector<16xf32>,
        tpu.vector_store %arg7[%swap3A_546, %swap3A_547], %gather3A_488 {strides = array<i32>} : memref<224x256xf32, #tpu.memory_space<vmem>>, vector<16xf32>,
        %add3A_549 = arith.constant 3 : i32
        %add3A_550 = arith.addi %add3A_180, %add3A_549 : i32
        %swap3A_551 = arith.index_cast %add3A_550 : i32 to index
        %swap3A_552 = arith.constant 176 : index
        %swap3A_553 = tpu.vector_load %arg7[%swap3A_551, %swap3A_552] {strides = array<i32>} : memref<224x256xf32, #tpu.memory_space<vmem>>, vector<16xf32>,
        tpu.vector_store %arg7[%swap3A_551, %swap3A_552], %gather3A_489 {strides = array<i32>} : memref<224x256xf32, #tpu.memory_space<vmem>>, vector<16xf32>,
        %add3A_554 = arith.constant 3 : i32
        %add3A_555 = arith.addi %add3A_180, %add3A_554 : i32
        %swap3A_556 = arith.index_cast %add3A_555 : i32 to index
        %swap3A_557 = arith.constant 192 : index
        %swap3A_558 = tpu.vector_load %arg7[%swap3A_556, %swap3A_557] {strides = array<i32>} : memref<224x256xf32, #tpu.memory_space<vmem>>, vector<16xf32>,
        tpu.vector_store %arg7[%swap3A_556, %swap3A_557], %gather3A_490 {strides = array<i32>} : memref<224x256xf32, #tpu.memory_space<vmem>>, vector<16xf32>,
        %add3A_559 = arith.constant 3 : i32
        %add3A_560 = arith.addi %add3A_180, %add3A_559 : i32
        %swap3A_561 = arith.index_cast %add3A_560 : i32 to index
        %swap3A_562 = arith.constant 208 : index
        %swap3A_563 = tpu.vector_load %arg7[%swap3A_561, %swap3A_562] {strides = array<i32>} : memref<224x256xf32, #tpu.memory_space<vmem>>, vector<16xf32>,
        tpu.vector_store %arg7[%swap3A_561, %swap3A_562], %gather3A_491 {strides = array<i32>} : memref<224x256xf32, #tpu.memory_space<vmem>>, vector<16xf32>,
        %add3A_564 = arith.constant 3 : i32
        %add3A_565 = arith.addi %add3A_180, %add3A_564 : i32
        %swap3A_566 = arith.index_cast %add3A_565 : i32 to index
        %swap3A_567 = arith.constant 224 : index
        %swap3A_568 = tpu.vector_load %arg7[%swap3A_566, %swap3A_567] {strides = array<i32>} : memref<224x256xf32, #tpu.memory_space<vmem>>, vector<16xf32>,
        tpu.vector_store %arg7[%swap3A_566, %swap3A_567], %gather3A_492 {strides = array<i32>} : memref<224x256xf32, #tpu.memory_space<vmem>>, vector<16xf32>,
        %add3A_569 = arith.constant 3 : i32
        %add3A_570 = arith.addi %add3A_180, %add3A_569 : i32
        %swap3A_571 = arith.index_cast %add3A_570 : i32 to index
        %swap3A_572 = arith.constant 240 : index
        %swap3A_573 = tpu.vector_load %arg7[%swap3A_571, %swap3A_572] {strides = array<i32>} : memref<224x256xf32, #tpu.memory_space<vmem>>, vector<16xf32>,
        tpu.vector_store %arg7[%swap3A_571, %swap3A_572], %gather3A_493 {strides = array<i32>} : memref<224x256xf32, #tpu.memory_space<vmem>>, vector<16xf32>,
      }
      %scan3A_155 = arith.constant 28 : i32
      %mul3A_156 = arith.constant 112 : i32
      %mul3A_157 = arith.muli %add3A_132, %mul3A_156 : i32
      %add3A_158 = arith.addi %mul3A_33, %mul3A_157 : i32
      %dma_start3A_159 = arith.constant 112 : i32
      %dma_start3A_160 = arith.constant 0 : i32
      %dma_start3A_161 = tpu.memref_slice %arg7[%dma_start3A_159, %dma_start3A_160] : memref<224x256xf32, #tpu.memory_space<vmem>> -> memref<112x256xf32, #tpu.memory_space<vmem>>
      %dma_start3A_162 = arith.constant 0 : i32
      %dma_start3A_163 = tpu.memref_slice %arg4[%add3A_158, %dma_start3A_162] : memref<200704x256xf32, #tpu.memory_space<hbm>> -> memref<112x256xf32, #tpu.memory_space<hbm>>
      %dma_start3A_164 = arith.constant 0 : i32
      %dma_start3A_165 = tpu.memref_slice %arg4[%add3A_158, %dma_start3A_164] : memref<200704x256xf32, #tpu.memory_space<hbm>> -> memref<112x256xf32, #tpu.memory_space<hbm>>
      %dma_start3A_166 = arith.constant 112 : i32
      %dma_start3A_167 = arith.constant 0 : i32
      %dma_start3A_168 = tpu.memref_slice %arg7[%dma_start3A_166, %dma_start3A_167] : memref<224x256xf32, #tpu.memory_space<vmem>> -> memref<112x256xf32, #tpu.memory_space<vmem>>
      tpu.enqueue_dma source(%dma_start3A_168 : memref<112x256xf32, #tpu.memory_space<vmem>>) target(%dma_start3A_165 : memref<112x256xf32, #tpu.memory_space<hbm>>) target_semaphore(%arg11 : memref<!tpu.dma_semaphore, #tpu.memory_space<semaphore_mem>>)
      %add3A_169 = arith.constant 2 : i32
      %add3A_170 = arith.addi %add3A_132, %add3A_169 : i32
      %lt3A_171 = arith.constant 56 : i32
      %lt3A_172 = arith.cmpi slt, %add3A_170, %lt3A_171 : i32
      %convert_element_type3A_173 = arith.extui %lt3A_172 : i1 to i32
      %cond3A_174 = arith.constant 0 : i32
      %cond3A_175 = arith.cmpi ne, %convert_element_type3A_173, %cond3A_174 : i32
      scf.if %cond3A_175 {
        %add3A_176 = arith.constant 2 : i32
        %add3A_177 = arith.addi %add3A_132, %add3A_176 : i32
        %mul3A_178 = arith.constant 112 : i32
        %mul3A_179 = arith.muli %add3A_177, %mul3A_178 : i32
        %add3A_180 = arith.addi %mul3A_33, %mul3A_179 : i32
        %dma_start3A_181 = arith.constant 112 : i32
        %dma_start3A_182 = arith.constant 0 : i32
        %dma_start3A_183 = tpu.memref_slice %arg6[%dma_start3A_181, %dma_start3A_182] : memref<224x256xf32, #tpu.memory_space<vmem>> -> memref<112x256xf32, #tpu.memory_space<vmem>>
        %dma_start3A_184 = arith.constant 0 : i32
        %dma_start3A_185 = tpu.memref_slice %arg2[%add3A_180, %dma_start3A_184] : memref<200704x256xf32, #tpu.memory_space<hbm>> -> memref<112x256xf32, #tpu.memory_space<hbm>>
        %dma_start3A_186 = arith.constant 112 : i32
        %dma_start3A_187 = arith.constant 0 : i32
        %dma_start3A_188 = tpu.memref_slice %arg6[%dma_start3A_186, %dma_start3A_187] : memref<224x256xf32, #tpu.memory_space<vmem>> -> memref<112x256xf32, #tpu.memory_space<vmem>>
        %dma_start3A_189 = arith.constant 0 : i32
        %dma_start3A_190 = tpu.memref_slice %arg2[%add3A_180, %dma_start3A_189] : memref<200704x256xf32, #tpu.memory_space<hbm>> -> memref<112x256xf32, #tpu.memory_space<hbm>>
        tpu.enqueue_dma source(%dma_start3A_190 : memref<112x256xf32, #tpu.memory_space<hbm>>) target(%dma_start3A_188 : memref<112x256xf32, #tpu.memory_space<vmem>>) target_semaphore(%arg9 : memref<!tpu.dma_semaphore, #tpu.memory_space<semaphore_mem>>)
      } else {
      }
    }
    %scan3A_61 = arith.constant 28 : i32
    %dma_wait3A = arith.constant 0 : i32
    %dma_wait3A_62 = arith.constant 0 : i32
    %dma_wait3A_63 = tpu.memref_slice %arg7[%dma_wait3A, %dma_wait3A_62] : memref<224x256xf32, #tpu.memory_space<vmem>> -> memref<112x256xf32, #tpu.memory_space<vmem>>
    %dma_wait3A_64 = arith.constant 0 : i32
    %dma_wait3A_65 = arith.constant 0 : i32
    %dma_wait3A_66 = tpu.memref_slice %arg4[%dma_wait3A_64, %dma_wait3A_65] : memref<200704x256xf32, #tpu.memory_space<hbm>> -> memref<112x256xf32, #tpu.memory_space<hbm>>
    %dma_wait3A_67 = arith.constant 0 : i32
    %dma_wait3A_68 = arith.constant 0 : i32
    %dma_wait3A_69 = tpu.memref_slice %arg4[%dma_wait3A_67, %dma_wait3A_68] : memref<200704x256xf32, #tpu.memory_space<hbm>> -> memref<112x256xf32, #tpu.memory_space<hbm>>
    %dma_wait3A_70 = arith.constant 0 : i32
    %dma_wait3A_71 = arith.constant 0 : i32
    %dma_wait3A_72 = tpu.memref_slice %arg7[%dma_wait3A_70, %dma_wait3A_71] : memref<224x256xf32, #tpu.memory_space<vmem>> -> memref<112x256xf32, #tpu.memory_space<vmem>>
    tpu.wait_dma2 semaphore(%arg10 : memref<!tpu.dma_semaphore, #tpu.memory_space<semaphore_mem>>) src(%dma_wait3A_72 : memref<112x256xf32, #tpu.memory_space<vmem>>) dst(%dma_wait3A_69 : memref<112x256xf32, #tpu.memory_space<hbm>>)
    %dma_wait3A_73 = arith.constant 0 : i32
    %dma_wait3A_74 = arith.constant 0 : i32
    %dma_wait3A_75 = tpu.memref_slice %arg7[%dma_wait3A_73, %dma_wait3A_74] : memref<224x256xf32, #tpu.memory_space<vmem>> -> memref<112x256xf32, #tpu.memory_space<vmem>>
    %dma_wait3A_76 = arith.constant 0 : i32
    %dma_wait3A_77 = arith.constant 0 : i32
    %dma_wait3A_78 = tpu.memref_slice %arg4[%dma_wait3A_76, %dma_wait3A_77] : memref<200704x256xf32, #tpu.memory_space<hbm>> -> memref<112x256xf32, #tpu.memory_space<hbm>>
    %dma_wait3A_79 = arith.constant 0 : i32
    %dma_wait3A_80 = arith.constant 0 : i32
    %dma_wait3A_81 = tpu.memref_slice %arg4[%dma_wait3A_79, %dma_wait3A_80] : memref<200704x256xf32, #tpu.memory_space<hbm>> -> memref<112x256xf32, #tpu.memory_space<hbm>>
    %dma_wait3A_82 = arith.constant 0 : i32
    %dma_wait3A_83 = arith.constant 0 : i32
    %dma_wait3A_84 = tpu.memref_slice %arg7[%dma_wait3A_82, %dma_wait3A_83] : memref<224x256xf32, #tpu.memory_space<vmem>> -> memref<112x256xf32, #tpu.memory_space<vmem>>
    tpu.wait_dma2 semaphore(%arg11 : memref<!tpu.dma_semaphore, #tpu.memory_space<semaphore_mem>>) src(%dma_wait3A_84 : memref<112x256xf32, #tpu.memory_space<vmem>>) dst(%dma_wait3A_81 : memref<112x256xf32, #tpu.memory_space<hbm>>)
    return
  }
}

module attributes {stable_mosaic.version = 14 : i64} {
  func.func @_nz_body(%arg0: memref<1x256xf32, #tpu.memory_space<vmem>>, %arg1: memref<1x256xi32, #tpu.memory_space<vmem>>) attributes {dimension_semantics = [], scalar_prefetch = 0 : i64, scratch_operands = 0 : i64, tpu.core_type = #tpu.core_type<tc>} {
    %get3A = arith.constant 0 : index
    %get3A_0 = arith.constant 0 : index
    %get3A_1 = vector.load %arg0[%get3A, %get3A_0] : memref<1x256xf32, #tpu.memory_space<vmem>>, vector<1x256xf32>
    %get3A_2 = vector.shape_cast %get3A_1 : vector<1x256xf32> to vector<256xf32>
    %ne3A = arith.constant 0.000000e+00 : f32
    %ne3A_3 = vector.broadcast %ne3A : f32 to vector<256xf32>
    %ne3A_4 = arith.cmpf one, %get3A_2, %ne3A_3 : vector<256xf32>
    %iota3A = tpu.iota {dimensions = array<i32: 0>} : vector<256x256xi32>
    %iota3A_5 = tpu.iota {dimensions = array<i32: 1>} : vector<256x256xi32>
    %broadcast_in_dim3A = vector.shape_cast %ne3A_4 : vector<256xi1> to vector<1x256xi1>
    %broadcast_in_dim3A_6 = vector.shape_cast %broadcast_in_dim3A : vector<1x256xi1> to vector<1x256xi1>
    %broadcast_in_dim3A_7 = vector.broadcast %broadcast_in_dim3A_6 : vector<1x256xi1> to vector<256x256xi1>
    %lt3A = arith.cmpi slt, %iota3A_5, %iota3A : vector<256x256xi32>
    %and3A = arith.andi %broadcast_in_dim3A_7, %lt3A : vector<256x256xi1>
    %jit3A = arith.constant 1 : i32
    %jit3A_8 = arith.constant 0 : i32
    %broadcast_in_dim3A_9 = vector.broadcast %jit3A : i32 to vector<256x256xi32>
    %broadcast_in_dim3A_10 = vector.broadcast %jit3A_8 : i32 to vector<256x256xi32>
    %select_n3A = arith.select %and3A, %broadcast_in_dim3A_9, %broadcast_in_dim3A_10 : vector<256x256xi1>, vector<256x256xi32>
    %reduce_sum3A = arith.constant dense<0> : vector<256xi32>
    %reduce_sum3A_11 = vector.multi_reduction <add>, %select_n3A, %reduce_sum3A [1] : vector<256x256xi32> to vector<256xi32>
    %broadcast_in_dim3A_12 = vector.shape_cast %reduce_sum3A_11 : vector<256xi32> to vector<1x256xi32>
    %broadcast_in_dim3A_13 = vector.shape_cast %broadcast_in_dim3A_12 : vector<1x256xi32> to vector<1x256xi32>
    %broadcast_in_dim3A_14 = vector.broadcast %broadcast_in_dim3A_13 : vector<1x256xi32> to vector<256x256xi32>
    %eq3A = arith.cmpi eq, %broadcast_in_dim3A_14, %iota3A : vector<256x256xi32>
    %and3A_15 = arith.andi %broadcast_in_dim3A_7, %eq3A : vector<256x256xi1>
    %jit3A_16 = arith.constant 0 : i32
    %broadcast_in_dim3A_17 = vector.broadcast %jit3A_16 : i32 to vector<256x256xi32>
    %select_n3A_18 = arith.select %and3A_15, %iota3A_5, %broadcast_in_dim3A_17 : vector<256x256xi1>, vector<256x256xi32>
    %reduce_sum3A_19 = arith.constant dense<0> : vector<256xi32>
    %reduce_sum3A_20 = vector.multi_reduction <add>, %select_n3A_18, %reduce_sum3A_19 [1] : vector<256x256xi32> to vector<256xi32>
    %swap3A = arith.constant 0 : index
    %swap3A_21 = arith.constant 0 : index
    %swap3A_22 = vector.load %arg1[%swap3A, %swap3A_21] : memref<1x256xi32, #tpu.memory_space<vmem>>, vector<1x256xi32>
    %swap3A_23 = vector.shape_cast %swap3A_22 : vector<1x256xi32> to vector<256xi32>
    %swap3A_24 = vector.shape_cast %reduce_sum3A_20 : vector<256xi32> to vector<1x256xi32>
    tpu.vector_store %arg1[%swap3A, %swap3A_21], %swap3A_24 {strides = array<i32>} : memref<1x256xi32, #tpu.memory_space<vmem>>, vector<1x256xi32>,
    return
  }
}

</mosaic_0001>

<sc_bundles>
// kernel: kernel.4.cloned.1.call-start
scs
__scs_entry_jumppad:
0x0: {  	(pc) =	sbr.rel $0x88, $3  }
0x1: {  	(tag) =	ssettag $0x0;
	lr =	simm.s32 $0x1  }
0x2: {  	[smem:$0x3F9F] =	sst lr;
	_ =	strace $0xD0000000  }
0x3: {  	_ = 	snop  }
0x4: {  	_ = 	snop  }
0x5: {  	_ = 	snop  }
0x6: {  	_ = 	snop  }
0x7: {  	_ = 	snop  }
__scs_overlays_trampoline_lowered:
0x8: {  	[smem:$0x3FAE] =	sst s0  }
0x9: {  	[smem:$0x3FAF] =	sst s1  }
0xa: {  	[smem:$0x3FB0] =	sst s2  }
0xb: {  	[smem:$0x3FB1] =	sst s3  }
0xc: {  	[smem:$0x3FB2] =	sst s4  }
0xd: {  	[smem:$0x3FB3] =	sst s5  }
0xe: {  	[smem:$0x3FB4] =	sst s6  }
0xf: {  	[smem:$0x3FB5] =	sst s7  }
0x10: {  	[smem:$0x3FB6] =	sst s8  }
0x11: {  	[smem:$0x3FB7] =	sst s9;
	s0 =	simm.s32 @!p0 $0x0  }
0x12: {  	s1 =	sld [smem:$0x3F9D];
	s0 =	simm.s32 @p0 $0x1  }
0x13: {  	[smem:$0x3FB8] =	sst s0;
	s0 =	simm.s32 @!p1 $0x0  }
0x14: {  	s2 =	sld [smem:$0x3F9C];
	s0 =	simm.s32 @p1 $0x1  }
0x15: {  	[smem:$0x3FB9] =	sst s0;
	s0 =	simm.s32 @!p2 $0x0  }
0x16: {  	s3 =	sld [smem:$0x3FDB];
	s0 =	simm.s32 @p2 $0x1  }
0x17: {  	s4 =	simm.s32 $0x1BF5;
	[smem:$0x3FBB] =	sst s0  }
0x18: {  	s0 =	sld [smem:$0x3F9E];
	_ =	swait.ge [sflag:s4], $0x0  }
0x19: {  	s7 =	sld [smem:$0x3F9F]  }
0x1a: {  	s8 =	sadd.s32 $0xFFFFE003, lr  }
0x1b: {  	s9 =	sadd.s32 $0xFFFFFEF7, lr;
	s5 =	simm.s32 $0xFFFFFFFF;
	p2 =	slt.u32 s8, $0xFFFFF086  }
0x1c: {  	p1 =	slt.u32 s9, $0xF7A;
	s5 =	simm.s32 @!p2 $0x0  }
0x1d: {  	s5 =	simm.s32 @p1 $0x1;
	p0 =	seq.s32 s7, s2  }
0x1e: {  	s7 =	smul.u32 @!p0 $0xF7A, s2;
	p2 =	seq.s32 @!p0 s5, $0x0  }
0x1f: {  	s9 =	smul.u32 $0xF7A, s1;
	s8 =	simm.s32 @!p0 $0x1BF5;
	p2 =	por !p2, p0  }
0x20: {  	[sflag:s8] =	ssyncset.s32 @!p0 $0xFFFFF086;
	s6 =	sadd.s32 @!p0 s3, s7;
	s7 =	simm.s32 @!p0 $0x108  }
0x21: {  	s3 =	sadd.s32 s3, s9;
	s6 =	sadd.s32 @!p0 $0x88, s6;
	s7 =	simm.s32 @p2 $0x1082  }
0x22: {  	[simem:s7], [sflag:s8] =	dma.local @!p0 [hbm:s6], $0xF7A  }
0x23: {  	s9 =	sor.u32 $0xD0000000, s2;
	s6 =	simm.s32 $0x108;
	_ =	swait.ge @!p0 [sflag:s8], $0x0  }
0x24: {  	s3 =	sadd.s32 $0x88, s3;
	s6 =	simm.s32 @!p1 $0x1082;
	[sflag:s4] =	ssyncset.s32 $0xFFFFF086  }
0x25: {  	[simem:s6], [sflag:s4] =	dma.local [hbm:s3], $0xF7A  }
0x26: {  	[smem:$0x3F9F] =	sst s1;
	(tag) =	ssettag s2;
	_ =	strace s9  }
0x27: {  	s1 =	sld [smem:$0x3FAF]  }
0x28: {  	s2 =	sld [smem:$0x3FB0]  }
0x29: {  	s4 =	sld [smem:$0x3FB2]  }
0x2a: {  	p0 =	seq.s32 s5, $0x0;
	s5 =	sld [smem:$0x3FB3]  }
0x2b: {  	s6 =	sld [smem:$0x3FB4]  }
0x2c: {  	s7 =	sld [smem:$0x3FB5]  }
0x2d: {  	s3 =	simm.s32 $0x108;
	s8 =	sld [smem:$0x3FB6]  }
0x2e: {  	s3 =	simm.s32 @!p0 $0x1082;
	s9 =	sld [smem:$0x3FB7]  }
0x2f: {  	lr =	sadd.s32 s0, s3;
	s0 =	sld [smem:$0x3FAE]  }
0x30: {  	s3 =	sld [smem:$0x3FB1]  }
0x31: {  	[smem:$0x3FBA] =	sst s10  }
0x32: {  	s10 =	sld [smem:$0x3FB8];
	_ =	sdelay $0x3  }
0x33: {  	p0 =	seq.s32 s10, $0x1;
	s10 =	sld [smem:$0x3FBA];
	_ =	sdelay $0x3  }
0x34: {  	[smem:$0x3FBA] =	sst s10  }
0x35: {  	s10 =	sld [smem:$0x3FB9];
	_ =	sdelay $0x3  }
0x36: {  	p1 =	seq.s32 s10, $0x1;
	s10 =	sld [smem:$0x3FBA];
	_ =	sdelay $0x3  }
0x37: {  	[smem:$0x3FBA] =	sst s10  }
0x38: {  	s10 =	sld [smem:$0x3FBB]  }
0x39: {  	_ = 	snop;
	(pc) =	sbr.ind lr, $3  }
0x3a: {  	_ = 	snop  }
0x3b: {  	_ = 	snop  }
0x3c: {  	p2 =	seq.s32 s10, $0x1;
	s10 =	sld [smem:$0x3FBA]  }
0x3d: {  	_ =	shalt  }
0x3e: {  	_ =	shalt  }
0x3f: {  	_ =	shalt  }
0x40: {  	_ =	shalt  }
0x41: {  	_ =	shalt  }
0x42: {  	_ =	shalt  }
0x43: {  	_ =	shalt  }
0x44: {  	_ =	shalt  }
0x45: {  	_ =	shalt  }
0x46: {  	_ =	shalt  }
0x47: {  	_ =	shalt  }
0x48: {  	_ =	shalt  }
0x49: {  	_ =	shalt  }
0x4a: {  	_ =	shalt  }
0x4b: {  	_ =	shalt  }
0x4c: {  	_ =	shalt  }
0x4d: {  	_ =	shalt  }
0x4e: {  	_ =	shalt  }
0x4f: {  	_ =	shalt  }
0x50: {  	_ =	shalt  }
0x51: {  	_ =	shalt  }
0x52: {  	_ =	shalt  }
0x53: {  	_ =	shalt  }
0x54: {  	_ =	shalt  }
0x55: {  	_ =	shalt  }
0x56: {  	_ =	shalt  }
0x57: {  	_ =	shalt  }
0x58: {  	_ =	shalt  }
0x59: {  	_ =	shalt  }
0x5a: {  	_ =	shalt  }
0x5b: {  	_ =	shalt  }
0x5c: {  	_ =	shalt  }
0x5d: {  	_ =	shalt  }
0x5e: {  	_ =	shalt  }
0x5f: {  	_ =	shalt  }
0x60: {  	_ =	shalt  }
0x61: {  	_ =	shalt  }
0x62: {  	_ =	shalt  }
0x63: {  	_ =	shalt  }
0x64: {  	_ =	shalt  }
0x65: {  	_ =	shalt  }
0x66: {  	_ =	shalt  }
0x67: {  	_ =	shalt  }
0x68: {  	_ =	shalt  }
0x69: {  	_ =	shalt  }
0x6a: {  	_ =	shalt  }
0x6b: {  	_ =	shalt  }
0x6c: {  	_ =	shalt  }
0x6d: {  	_ =	shalt  }
0x6e: {  	_ =	shalt  }
0x6f: {  	_ =	shalt  }
0x70: {  	_ =	shalt  }
0x71: {  	_ =	shalt  }
0x72: {  	_ =	shalt  }
0x73: {  	_ =	shalt  }
0x74: {  	_ =	shalt  }
0x75: {  	_ =	shalt  }
0x76: {  	_ =	shalt  }
0x77: {  	_ =	shalt  }
0x78: {  	_ =	shalt  }
0x79: {  	_ =	shalt  }
0x7a: {  	_ =	shalt  }
0x7b: {  	_ =	shalt  }
0x7c: {  	_ =	shalt  }
0x7d: {  	_ =	shalt  }
0x7e: {  	_ =	shalt  }
0x7f: {  	_ =	shalt  }
0x80: {  	_ =	shalt  }
0x81: {  	_ =	shalt  }
0x82: {  	_ =	shalt  }
0x83: {  	_ =	shalt  }
0x84: {  	_ =	shalt  }
0x85: {  	_ =	shalt  }
0x86: {  	_ =	shalt  }
0x87: {  	_ =	shalt  }
.Lfunc_end0:
.L_simem_size_0:
called_computation_lowered:
.L_overlay_start_0:
0x88: {  	s2 =	sld [smem:$0x3FD9]  }
0x89: {  	s3 =	sld [smem:$0x3FFE];
	_ =	sdelay $0x1  }
0x8a: {  	s1 =	srdreg.scid  }
0x8b: {  	s0 =	sand.u32 $0x1, s1  }
0x8c: {  	s17 =	sshll.u32 s0, $0xA;
	s2 =	sadd.s32 s3, s2  }
0x8d: {  	s2 =	sadd.s32 s2, s17  }
0x8e: {  	[smem:$0x3FC6] =	sst s2  }
0x8f: {  	_ = 	snop  }
0x90: {  	s2 =	sld [smem:$0x3FC9]  }
0x91: {  	s18 =	sld [smem:$0x3FD0];
	(tm) =	ssettm $0x1  }
0x92: {  	s4 =	sld [smem:$0x3FFB];
	_ =	sdelay $0x3  }
0x93: {  	_ =	strace s4  }
0x94: {  	s4 =	sld [smem:$0x3FFC];
	_ =	sdelay $0x3  }
0x95: {  	_ =	strace s4  }
0x96: {  	s4 =	sld [smem:$0x3FFD];
	_ =	sdelay $0x3  }
0x97: {  	_ =	strace s4  }
0x98: {  	_ =	strace $0x8FFFFFFF  }
0x99: {  	s19 =	sld [smem:$0x3FDB];
	_ =	sdelay $0x1  }
0x9a: {  	s5 =	simm.s32 $_scs_section_size  }
0x9b: {  	s6 =	simm.s32 $_size__tile_overlayer_lowered;
	s7 =	simm.s32 $_tile_overlayer_lowered  }
0x9c: {  	s22 =	simm.s32 $0x1BFF;
	s21 =	sshll.u32 s7, $0x1;
	s4 =	sadd.s32 s5, s19  }
0x9d: {  	s8 =	simm.s32 $0x0;
	s20 =	sshll.u32 s6, $0x1;
	s6 =	sadd.s32 s21, s4  }
0x9e: {  	[timem:s8], [sflag:s22] =	dma.local [hbm:s6], s20  }
0x9f: {  	_ =	swait.ge [sflag:s22], s20  }
0xa0: {  	s5 =	ssub.s32 $0x0, s20;
	[sflag:s22] =	ssyncset.done $0x0  }
0xa1: {  	[sflag:s22] =	ssyncadd.s32 s5;
	_ =	sdelay $0x1  }
0xa2: {  	s23 =	simm.s32 $0x1B8B  }
0xa3: {  	_ =	swait.ge [sflag:s23], $0x1  }
0xa4: {  	[sflag:s23] =	ssyncset.done $0x0  }
0xa5: {  	s25 =	simm.s32 $0x1B8E;
	s24 =	sld [smem:$0x3FFE];
	[sflag:s23] =	ssyncadd.s32 $0xFFFFFFFF  }
0xa6: {  	s26 =	simm.s32 $execute0_lowered;
	[smem:$0x3FD2] =	sst s25  }
0xa7: {  	s6 =	sshll.u32 s26, $0x1;
	_ =	strace $0x80000046;
	[dreg:$0x1] =	wrdreg $0xFFFFFFFF  }
0xa8: {  	s28 =	simm.s32 $_size_execute0_lowered;
	s4 =	sadd.s32 s4, s6;
	[dreg:$0x0] =	wrdreg $0x0  }
0xa9: {  	s6 =	sshll.u32 s28, $0x1;
	[dreg:$0x2] =	wrdreg s4  }
0xaa: {  	[dreg:$0x3] =	wrdreg s6  }
0xab: {  	[dreg:$0x4] =	wrdreg $0xC0  }
0xac: {  	_ =	task [dreg:s8], $0x5FFFF  }
0xad: {  	[dreg:$0x1] =	wrdreg $0xFFFFFFFF  }
0xae: {  	[dreg:$0x0] =	wrdreg $0x60  }
0xaf: {  	[dreg:$0x2] =	wrdreg s2  }
0xb0: {  	[dreg:$0x3] =	wrdreg s24  }
0xb1: {  	[dreg:$0x4] =	wrdreg s18  }
0xb2: {  	[dreg:$0x5] =	wrdreg $0x9  }
0xb3: {  	_ =	task.clear_ibuf [dreg:s8], $0x6FFFF;
	_ =	strace $0x90000046  }
0xb4: {  	s29 =	simm.s32 $0x9;
	_ =	strace $0x80000048  }
0xb5: {  	_ =	swait.ge [sflag:s29], $0x1  }
0xb6: {  	[sflag:s29] =	ssyncadd.s32 $0xFFFFFFFF  }
0xb7: {  	_ =	strace $0x90000048  }
0xb8: {  	_ =	sfence  }
0xb9: {  	s30 =	sld [smem:$0x0];
	_ =	sdelay $0x2  }
0xba: {  	s31 =	sshll.u32 s1, $0xD;
	s1 =	sshrl.u32 s1, $0x2  }
0xbb: {  	s3 =	sand.u32 $0x4000, s31;
	s1 =	sadd.s32 s1, s30  }
0xbc: {  	s0 =	sor.u32 s3, s0;
	s1 =	sshll.u32 s1, $0x11  }
0xbd: {  	s0 =	sor.u32 s1, s0  }
0xbe: {  	s0 =	sadd.s32 $0x8F2B, s0  }
0xbf: {  	[sflag:s0] =	ssyncadd.remote.s32 $0x1  }
0xc0: {  	_ =	sfence.sel $0xFFFF  }
0xc1: {  	[dreg:$0x0] =	wrdreg $0xFFFFFFFF;
	(pc) =	sbr.abs _section_cstart, $3  }
0xc2: {  	[dreg:$0x1] =	wrdreg $0xFFFFFFFF  }
0xc3: {  	_ =	task.clear_ibuf [dreg:s8], $0x2FFFF;
	_ =	strace $0x9FFFFFFF  }
0xc4: {  	(tm) =	ssettm $0x7FFFFFFF  }
0xc5: {  	_ =	shalt  }
tec
execute0_lowered:
.L_overlay_start_1:
0x0: {  	(tag) =	ssettag $0x1  }
0x1: {  	s1 =	rddreg [dreg:$0x0]  }
0x2: {  	s6 =	rddreg [dreg:$0x1];
	s2 =	srdreg.scid  }
0x3: {  	s0 =	stileid.u32;
	s3 =	rddreg [dreg:$0x2]  }
0x4: {  	s4 =	simm.s32 $0x0;
	s13 =	simm.s32 $0x5;
	s14 =	simm.s32 $0x100  }
0x5: {  	s15 =	simm.s32 $0x7100;
	s16 =	simm.s32 $0x1;
	s17 =	simm.s32 $0xE100  }
0x6: {  	s18 =	simm.s32 $0x2;
	s5 =	sand.u32 $0x1, s2;
	s7 =	sshll.u32 s0, $0x1  }
0x7: {  	s19 =	simm.s32 $0x4;
	s20 =	simm.s32 $0x15100;
	s7 =	sor.u32 s5, s7  }
0x8: {  	s21 =	simm.s32 $0x3;
	s22 =	simm.s32 $0x0;
	s9 =	smul.u32 $0x31000, s7  }
.Ltmp0:
0x9: {  	[smem:$0x7FF] =	sst s4;
	s8 =	ssub.s32 $0x2, s5;
	(pc) =	sbr.rel .LBB2_1-.Ltmp0, $4  }
0xa: {  	s31 =	sadd.s32 $0x800, s6;
	s10 =	sshrl.u32 s8, $0x1;
	s5 =	smul.u32 $0x1880, s7  }
0xb: {  	_ =	strace $0x80000047;
	[dreg:$0x4] =	wrdreg s31;
	s12 =	ssub.s32 s8, s10  }
0xc: {  	s7 =	sadd.s32 s1, s9;
	s9 =	sadd.s32 $0xE0, s5;
	s10 =	sor.u32 $0x70, s5  }
0xd: {  	s11 =	sadd.s32 $0x150, s5;
	s12 =	smax.u32 s12, $0x1;
	s8 =	sadd.s32 $0xE00, s7  }
.LBB2_12:
0xe: {  	s22 =	sadd.s32 $0x1, s22  }
0xf: {  	_ =	swait.ge [sflag:s21], $0x7000;
	p0 =	sne.s32 s22, s12  }
.Ltmp1:
0x10: {  	[sflag:s21] =	ssyncset.done $0x0;
	(pc) =	sbr.rel @!p0 .LBB2_13-.Ltmp1, $4  }
0x11: {  	[sflag:s21] =	ssyncadd.s32 $0xFFFF9000  }
0x12: {  	_ =	swait.ge [sflag:s19], $0x7000  }
0x13: {  	[sflag:s19] =	ssyncset.done $0x0  }
0x14: {  	[sflag:s19] =	ssyncadd.s32 $0xFFFF9000  }
.LBB2_1:
0x15: {  	s0 =	rddreg [dreg:$0x4]  }
0x16: {  	[tilespmem:s4], [sflag:$0x5] =	stream.linear.gather [hbm4b:s0+s4], $0x100, $0x38;
	[tilespmem:$0x1C100] =	vst v63  }
0x17: {  	_ =	swait.ge [sflag:s13], $0x100  }
0x18: {  	[sflag:s13] =	ssyncset.done $0x0  }
0x19: {  	[sflag:s13] =	ssyncadd.s32 $0xFFFFFF00  }
0x1a: {  	v1 =	vld [tilespmem:$0x0]  }
0x1b: {  	v2 =	vld [tilespmem:$0x10]  }
0x1c: {  	v5 =	vld [tilespmem:$0x20]  }
0x1d: {  	v6 =	vld [tilespmem:$0x30]  }
0x1e: {  	v9 =	vld [tilespmem:$0x40]  }
0x1f: {  	v10 =	vld [tilespmem:$0x50]  }
0x20: {  	v13 =	vld [tilespmem:$0x60]  }
0x21: {  	v14 =	vld [tilespmem:$0x70]  }
0x22: {  	v17 =	vld [tilespmem:$0x80]  }
0x23: {  	v18 =	vld [tilespmem:$0x90]  }
0x24: {  	v21 =	vld [tilespmem:$0xA0];
	v0 =	vand.u32 $0x7F, v1;
	v1 =	vshll.u32 v1, $0x3;
	v3 =	vshll.u32 v2, $0x3  }
0x25: {  	v22 =	vld [tilespmem:$0xB0];
	v2 =	vand.u32 $0x7F, v2;
	v4 =	vand.u32 $0x7F, v5;
	v5 =	vshll.u32 v5, $0x3  }
0x26: {  	v25 =	vld [tilespmem:$0xC0];
	v7 =	vshll.u32 v6, $0x3;
	v6 =	vand.u32 $0x7F, v6;
	v8 =	vand.u32 $0x7F, v9  }
0x27: {  	v26 =	vld [tilespmem:$0xD0];
	v9 =	vshll.u32 v9, $0x3;
	v11 =	vshll.u32 v10, $0x3;
	v10 =	vand.u32 $0x7F, v10  }
0x28: {  	v29 =	vld [tilespmem:$0xE0];
	v12 =	vand.u32 $0x7F, v13;
	v13 =	vshll.u32 v13, $0x3;
	v15 =	vshll.u32 v14, $0x3  }
0x29: {  	v30 =	vld [tilespmem:$0xF0];
	v14 =	vand.u32 $0x7F, v14;
	v16 =	vand.u32 $0x7F, v17;
	v17 =	vshll.u32 v17, $0x3  }
0x2a: {  	v19 =	vshll.u32 v18, $0x3;
	v18 =	vand.u32 $0x7F, v18;
	v20 =	vand.u32 $0x7F, v21  }
0x2b: {  	v21 =	vshll.u32 v21, $0x3;
	v23 =	vshll.u32 v22, $0x3;
	v22 =	vand.u32 $0x7F, v22  }
0x2c: {  	v24 =	vand.u32 $0x7F, v25;
	v25 =	vshll.u32 v25, $0x3;
	v27 =	vshll.u32 v26, $0x3  }
0x2d: {  	v26 =	vand.u32 $0x7F, v26;
	v28 =	vand.u32 $0x7F, v29;
	v29 =	vshll.u32 v29, $0x3  }
0x2e: {  	v31 =	vshll.u32 v30, $0x3;
	v30 =	vand.u32 $0x7F, v30;
	v1 =	vand.u32 $0xFFFFFC00, v1  }
0x2f: {  	v3 =	vand.u32 $0xFFFFFC00, v3;
	v5 =	vand.u32 $0xFFFFFC00, v5;
	v7 =	vand.u32 $0xFFFFFC00, v7  }
0x30: {  	v9 =	vand.u32 $0xFFFFFC00, v9;
	v11 =	vand.u32 $0xFFFFFC00, v11;
	v13 =	vand.u32 $0xFFFFFC00, v13  }
0x31: {  	[tilespmem:s14], [sflag:$0x1] =	stream.linear.gather [hbm4b:s7+s4], $0x7000, $0x38;
	v15 =	vand.u32 $0xFFFFFC00, v15;
	v17 =	vand.u32 $0xFFFFFC00, v17;
	v19 =	vand.u32 $0xFFFFFC00, v19;
	[tilespmem:$0x1C100] =	vst v63  }
0x32: {  	s23 =	simm.s32 $0x0;
	v21 =	vand.u32 $0xFFFFFC00, v21;
	v23 =	vand.u32 $0xFFFFFC00, v23;
	v25 =	vand.u32 $0xFFFFFC00, v25  }
0x33: {  	[tilespmem:s15], [sflag:$0x2] =	stream.linear.gather [hbm4b:s8+s4], $0x7000, $0x38;
	v27 =	vand.u32 $0xFFFFFC00, v27;
	v29 =	vand.u32 $0xFFFFFC00, v29;
	v31 =	vand.u32 $0xFFFFFC00, v31;
	[tilespmem:$0x1C100] =	vst v63  }
.LBB2_2:
0x34: {  	_ =	swait.ge [sflag:s16], $0x7000  }
0x35: {  	p0 =	seq.s32 s23, $0x0;
	[sflag:s16] =	ssyncset.done $0x0  }
0x36: {  	s24 =	simm.s32 @!p0 $0x3;
	[sflag:s16] =	ssyncadd.s32 $0xFFFF9000  }
0x37: {  	p1 =	por $0x0, $0x0;
	s25 =	simm.s32 $0x3;
	_ =	swait.ge @!p0 [sflag:s24], $0x7000  }
0x38: {  	s26 =	simm.s32 $0x0;
	s28 =	simm.s32 $0x0;
	[sflag:s24] =	ssyncset.done @!p0 $0x0  }
0x39: {  	s29 =	simm.s32 $0x0;
	[sflag:s24] =	ssyncadd.s32 @!p0 $0xFFFF9000;
	s24 =	simm.s32 $0x0  }
.LBB2_3:
0x3a: {  	s30 =	sadd.s32 $0xFFFFFFFD, s25  }
0x3b: {  	v32 =	vmov s30  }
0x3c: {  	v33 =	vshll.u32 v32, $0x8  }
0x3d: {  	v32 =	vshll.u32 v32, $0x7;
	v33 =	vand.u32 $0x7800, v33  }
0x3e: {  	v32 =	vand.u32 $0x200, v32;
	v34 =	vadd.s32 v1, v33  }
0x3f: {  	v35 =	vadd.s32 v3, v33;
	v34 =	vor.u32 v32, v34  }
0x40: {  	v36 =	vadd.s32 v5, v33;
	v35 =	vor.u32 v32, v35;
	v34 =	vor.u32 v0, v34  }
0x41: {  	v37 =	vadd.s32 v7, v33;
	v36 =	vor.u32 v32, v36;
	v35 =	vor.u32 v2, v35  }
0x42: {  	v38 =	vadd.s32 v9, v33;
	v37 =	vor.u32 v32, v37;
	v36 =	vor.u32 v4, v36  }
0x43: {  	v39 =	vadd.s32 v11, v33;
	v38 =	vor.u32 v32, v38;
	v37 =	vor.u32 v6, v37  }
0x44: {  	v40 =	vadd.s32 v13, v33;
	v39 =	vor.u32 v32, v39;
	v38 =	vor.u32 v8, v38  }
0x45: {  	v41 =	vadd.s32 v15, v33;
	v40 =	vor.u32 v32, v40;
	v39 =	vor.u32 v10, v39;
	v34 =	vld.idx.msk [tilespmem:v34+s14+$0x0], $0xffff  }
0x46: {  	v42 =	vadd.s32 v17, v33;
	v41 =	vor.u32 v32, v41;
	v40 =	vor.u32 v12, v40;
	v35 =	vld.idx.msk [tilespmem:v35+s14+$0x0], $0xffff  }
0x47: {  	v43 =	vadd.s32 v19, v33;
	v42 =	vor.u32 v32, v42;
	v41 =	vor.u32 v14, v41;
	v36 =	vld.idx.msk [tilespmem:v36+s14+$0x0], $0xffff  }
0x48: {  	v44 =	vadd.s32 v21, v33;
	v43 =	vor.u32 v32, v43;
	v42 =	vor.u32 v16, v42;
	v37 =	vld.idx.msk [tilespmem:v37+s14+$0x0], $0xffff  }
0x49: {  	v45 =	vadd.s32 v23, v33;
	v44 =	vor.u32 v32, v44;
	v43 =	vor.u32 v18, v43;
	v38 =	vld.idx.msk [tilespmem:v38+s14+$0x0], $0xffff  }
0x4a: {  	v46 =	vadd.s32 v25, v33;
	v45 =	vor.u32 v32, v45;
	v44 =	vor.u32 v20, v44;
	v39 =	vld.idx.msk [tilespmem:v39+s14+$0x0], $0xffff  }
0x4b: {  	v47 =	vadd.s32 v27, v33;
	v46 =	vor.u32 v32, v46;
	v45 =	vor.u32 v22, v45;
	v40 =	vld.idx.msk [tilespmem:v40+s14+$0x0], $0xffff  }
0x4c: {  	v48 =	vadd.s32 v29, v33;
	v47 =	vor.u32 v32, v47;
	v46 =	vor.u32 v24, v46;
	v41 =	vld.idx.msk [tilespmem:v41+s14+$0x0], $0xffff  }
0x4d: {  	v33 =	vadd.s32 v31, v33;
	v48 =	vor.u32 v32, v48;
	v47 =	vor.u32 v26, v47;
	v42 =	vld.idx.msk [tilespmem:v42+s14+$0x0], $0xffff  }
0x4e: {  	v32 =	vor.u32 v32, v33;
	v48 =	vor.u32 v28, v48;
	v43 =	vld.idx.msk [tilespmem:v43+s14+$0x0], $0xffff  }
0x4f: {  	v32 =	vor.u32 v30, v32;
	v59 =	vld.idx.msk [tilespmem:v44+s14+$0x0], $0xffff  }
0x50: {  	v60 =	vld.idx.msk [tilespmem:v45+s14+$0x0], $0xffff  }
0x51: {  	s6 =	sand.u32 $0x7800, s29;
	v61 =	vld.idx.msk [tilespmem:v46+s14+$0x0], $0xffff  }
0x52: {  	s31 =	sand.u32 $0x200, s28;
	s30 =	sadd.s32 $0xE100, s6;
	v62 =	vld.idx.msk [tilespmem:v47+s14+$0x0], $0xffff  }
0x53: {  	s31 =	sor.u32 s31, s30;
	v63 =	vld.idx.msk [tilespmem:v48+s14+$0x0], $0xffff  }
0x54: {  	v32 =	vld.idx.msk [tilespmem:v32+s14+$0x0], $0xffff;
	[tilespmem:s31+$0x0] =	vst v34  }
0x55: {  	[tilespmem:s31+$0x10] =	vst v35  }
0x56: {  	[tilespmem:s31+$0x20] =	vst v36  }
0x57: {  	s2 =	simm.s32 $0x1;
	[tilespmem:s31+$0x30] =	vst v37  }
0x58: {  	s2 =	simm.s32 @!p1 $0x0;
	[tilespmem:s31+$0x40] =	vst v38  }
0x59: {  	s0 =	sadd.s32 $0xFFFFFFFE, s25;
	s2 =	sshll.u32 s2, $0x9;
	[tilespmem:s31+$0x50] =	vst v39  }
0x5a: {  	s2 =	sadd.s32 s2, s29;
	[tilespmem:s31+$0x60] =	vst v40;
	v39 =	vmov s0  }
0x5b: {  	[tilespmem:s31+$0x70] =	vst v41;
	s31 =	sor.u32 $0x400, s2;
	v40 =	vshll.u32 v39, $0x8  }
0x5c: {  	s6 =	sor.u32 $0x410, s2;
	[tilespmem:s31+$0xE100] =	vst v42;
	v34 =	vshll.u32 v39, $0x7;
	v35 =	vand.u32 $0x7800, v40  }
0x5d: {  	s31 =	sor.u32 $0x420, s2;
	[tilespmem:s6+$0xE100] =	vst v43;
	v34 =	vand.u32 $0x280, v34;
	v41 =	vadd.s32 v1, v35  }
0x5e: {  	s6 =	sor.u32 $0x430, s2;
	[tilespmem:s31+$0xE100] =	vst v59;
	v43 =	vadd.s32 v3, v35;
	v42 =	vor.u32 v34, v41  }
0x5f: {  	s31 =	sor.u32 $0x440, s2;
	v44 =	vadd.s32 v5, v35;
	[tilespmem:s6+$0xE100] =	vst v60;
	v36 =	vor.u32 v34, v43;
	v33 =	vor.u32 v0, v42  }
0x60: {  	v45 =	vadd.s32 v7, v35;
	s6 =	sor.u32 $0x450, s2;
	v37 =	vor.u32 v34, v44;
	[tilespmem:s31+$0xE100] =	vst v61;
	v36 =	vor.u32 v2, v36  }
0x61: {  	v46 =	vadd.s32 v9, v35;
	v38 =	vor.u32 v34, v45;
	s31 =	sor.u32 $0x460, s2;
	v37 =	vor.u32 v4, v37;
	[tilespmem:s6+$0xE100] =	vst v62  }
0x62: {  	v47 =	vadd.s32 v11, v35;
	v39 =	vor.u32 v34, v46;
	s2 =	sor.u32 $0x470, s2;
	v38 =	vor.u32 v6, v38;
	[tilespmem:s31+$0xE100] =	vst v63  }
0x63: {  	v50 =	vadd.s32 v13, v35;
	v49 =	vor.u32 v34, v47;
	v48 =	vor.u32 v8, v39;
	[tilespmem:s2+$0xE100] =	vst v32  }
0x64: {  	v51 =	vadd.s32 v15, v35;
	v40 =	vor.u32 v34, v50;
	v39 =	vor.u32 v10, v49;
	v33 =	vld.idx.msk [tilespmem:v33+s14+$0x0], $0xffff  }
0x65: {  	v53 =	vadd.s32 v19, v35;
	v41 =	vor.u32 v34, v51;
	v40 =	vor.u32 v12, v40;
	v36 =	vld.idx.msk [tilespmem:v36+s14+$0x0], $0xffff  }
0x66: {  	v54 =	vadd.s32 v21, v35;
	v43 =	vor.u32 v34, v53;
	v41 =	vor.u32 v14, v41;
	v37 =	vld.idx.msk [tilespmem:v37+s14+$0x0], $0xffff  }
0x67: {  	v55 =	vadd.s32 v23, v35;
	v44 =	vor.u32 v34, v54;
	v43 =	vor.u32 v18, v43;
	v38 =	vld.idx.msk [tilespmem:v38+s14+$0x0], $0xffff  }
0x68: {  	v56 =	vadd.s32 v25, v35;
	v45 =	vor.u32 v34, v55;
	v44 =	vor.u32 v20, v44;
	v32 =	vld.idx.msk [tilespmem:v48+s14+$0x0], $0xffff  }
0x69: {  	v57 =	vadd.s32 v27, v35;
	v46 =	vor.u32 v34, v56;
	v45 =	vor.u32 v22, v45;
	v39 =	vld.idx.msk [tilespmem:v39+s14+$0x0], $0xffff  }
0x6a: {  	v52 =	vadd.s32 v17, v35;
	v47 =	vor.u32 v34, v57;
	v46 =	vor.u32 v24, v46;
	v40 =	vld.idx.msk [tilespmem:v40+s14+$0x0], $0xffff  }
0x6b: {  	v58 =	vadd.s32 v29, v35;
	v42 =	vor.u32 v34, v52;
	v47 =	vor.u32 v26, v47;
	v41 =	vld.idx.msk [tilespmem:v41+s14+$0x0], $0xffff  }
0x6c: {  	v35 =	vadd.s32 v31, v35;
	v42 =	vor.u32 v16, v42;
	v48 =	vor.u32 v34, v58;
	v43 =	vld.idx.msk [tilespmem:v43+s14+$0x0], $0xffff  }
0x6d: {  	v34 =	vor.u32 v34, v35;
	v59 =	vld.idx.msk [tilespmem:v44+s14+$0x0], $0xffff;
	v48 =	vor.u32 v28, v48  }
0x6e: {  	v60 =	vld.idx.msk [tilespmem:v45+s14+$0x0], $0xffff;
	v34 =	vor.u32 v30, v34  }
0x6f: {  	v61 =	vld.idx.msk [tilespmem:v46+s14+$0x0], $0xffff  }
0x70: {  	s6 =	sadd.s32 $0x80, s28;
	v62 =	vld.idx.msk [tilespmem:v47+s14+$0x0], $0xffff  }
0x71: {  	s0 =	sand.u32 $0x280, s6;
	v42 =	vld.idx.msk [tilespmem:v42+s14+$0x0], $0xffff  }
0x72: {  	s0 =	sor.u32 s0, s30;
	v63 =	vld.idx.msk [tilespmem:v48+s14+$0x0], $0xffff  }
0x73: {  	v34 =	vld.idx.msk [tilespmem:v34+s14+$0x0], $0xffff;
	[tilespmem:s0+$0x0] =	vst v33  }
0x74: {  	[tilespmem:s0+$0x10] =	vst v36  }
0x75: {  	[tilespmem:s0+$0x20] =	vst v37  }
0x76: {  	s31 =	sand.u32 $0x7, s26;
	[tilespmem:s0+$0x30] =	vst v38  }
0x77: {  	s2 =	sshll.u32 s31, $0x7;
	[tilespmem:s0+$0x40] =	vst v32  }
0x78: {  	s31 =	sadd.s32 s29, s2;
	s2 =	sadd.s32 $0xFFFFFFFF, s25;
	[tilespmem:s0+$0x50] =	vst v39  }
0x79: {  	s6 =	sadd.s32 $0x80, s31;
	[tilespmem:s0+$0x60] =	vst v40;
	v39 =	vmov s2  }
0x7a: {  	[tilespmem:s0+$0x70] =	vst v41;
	s2 =	sor.u32 $0x400, s6;
	v40 =	vshll.u32 v39, $0x8  }
0x7b: {  	[tilespmem:s2+$0xE100] =	vst v42;
	s2 =	sor.u32 $0x410, s6;
	v32 =	vshll.u32 v39, $0x7;
	v33 =	vand.u32 $0x7800, v40  }
0x7c: {  	[tilespmem:s2+$0xE100] =	vst v43;
	s2 =	sor.u32 $0x420, s6;
	v32 =	vand.u32 $0x300, v32;
	v41 =	vadd.s32 v1, v33  }
0x7d: {  	[tilespmem:s2+$0xE100] =	vst v59;
	s2 =	sor.u32 $0x430, s6;
	v43 =	vadd.s32 v3, v33;
	v42 =	vor.u32 v32, v41  }
0x7e: {  	v44 =	vadd.s32 v5, v33;
	[tilespmem:s2+$0xE100] =	vst v60;
	s2 =	sor.u32 $0x440, s6;
	v36 =	vor.u32 v32, v43;
	v35 =	vor.u32 v0, v42  }
0x7f: {  	v45 =	vadd.s32 v7, v33;
	v37 =	vor.u32 v32, v44;
	[tilespmem:s2+$0xE100] =	vst v61;
	s2 =	sor.u32 $0x450, s6;
	v36 =	vor.u32 v2, v36  }
0x80: {  	v46 =	vadd.s32 v9, v33;
	v38 =	vor.u32 v32, v45;
	v37 =	vor.u32 v4, v37;
	[tilespmem:s2+$0xE100] =	vst v62;
	s2 =	sor.u32 $0x460, s6  }
0x81: {  	v47 =	vadd.s32 v11, v33;
	v39 =	vor.u32 v32, v46;
	v38 =	vor.u32 v6, v38;
	s6 =	sor.u32 $0x470, s6;
	[tilespmem:s2+$0xE100] =	vst v63  }
0x82: {  	v50 =	vadd.s32 v13, v33;
	v49 =	vor.u32 v32, v47;
	v48 =	vor.u32 v8, v39;
	[tilespmem:s6+$0xE100] =	vst v34  }
0x83: {  	v51 =	vadd.s32 v15, v33;
	v40 =	vor.u32 v32, v50;
	v39 =	vor.u32 v10, v49;
	v35 =	vld.idx.msk [tilespmem:v35+s14+$0x0], $0xffff  }
0x84: {  	v53 =	vadd.s32 v19, v33;
	v41 =	vor.u32 v32, v51;
	v40 =	vor.u32 v12, v40;
	v36 =	vld.idx.msk [tilespmem:v36+s14+$0x0], $0xffff  }
0x85: {  	v54 =	vadd.s32 v21, v33;
	v43 =	vor.u32 v32, v53;
	v41 =	vor.u32 v14, v41;
	v37 =	vld.idx.msk [tilespmem:v37+s14+$0x0], $0xffff  }
0x86: {  	v55 =	vadd.s32 v23, v33;
	v44 =	vor.u32 v32, v54;
	v43 =	vor.u32 v18, v43;
	v38 =	vld.idx.msk [tilespmem:v38+s14+$0x0], $0xffff  }
0x87: {  	v56 =	vadd.s32 v25, v33;
	v45 =	vor.u32 v32, v55;
	v44 =	vor.u32 v20, v44;
	v34 =	vld.idx.msk [tilespmem:v48+s14+$0x0], $0xffff  }
0x88: {  	v57 =	vadd.s32 v27, v33;
	v46 =	vor.u32 v32, v56;
	v45 =	vor.u32 v22, v45;
	v39 =	vld.idx.msk [tilespmem:v39+s14+$0x0], $0xffff  }
0x89: {  	v52 =	vadd.s32 v17, v33;
	v47 =	vor.u32 v32, v57;
	v46 =	vor.u32 v24, v46;
	v40 =	vld.idx.msk [tilespmem:v40+s14+$0x0], $0xffff  }
0x8a: {  	v58 =	vadd.s32 v29, v33;
	v42 =	vor.u32 v32, v52;
	v47 =	vor.u32 v26, v47;
	v41 =	vld.idx.msk [tilespmem:v41+s14+$0x0], $0xffff  }
0x8b: {  	v33 =	vadd.s32 v31, v33;
	v42 =	vor.u32 v16, v42;
	v48 =	vor.u32 v32, v58;
	v43 =	vld.idx.msk [tilespmem:v43+s14+$0x0], $0xffff  }
0x8c: {  	v32 =	vor.u32 v32, v33;
	v59 =	vld.idx.msk [tilespmem:v44+s14+$0x0], $0xffff;
	v48 =	vor.u32 v28, v48  }
0x8d: {  	v60 =	vld.idx.msk [tilespmem:v45+s14+$0x0], $0xffff;
	v32 =	vor.u32 v30, v32  }
0x8e: {  	v61 =	vld.idx.msk [tilespmem:v46+s14+$0x0], $0xffff  }
0x8f: {  	s2 =	sadd.s32 $0x100, s28;
	v62 =	vld.idx.msk [tilespmem:v47+s14+$0x0], $0xffff  }
0x90: {  	s0 =	sand.u32 $0x300, s2;
	v42 =	vld.idx.msk [tilespmem:v42+s14+$0x0], $0xffff  }
0x91: {  	s0 =	sadd.s32 s0, s30;
	v63 =	vld.idx.msk [tilespmem:v48+s14+$0x0], $0xffff  }
0x92: {  	v32 =	vld.idx.msk [tilespmem:v32+s14+$0x0], $0xffff;
	[tilespmem:s0+$0x0] =	vst v35  }
0x93: {  	[tilespmem:s0+$0x10] =	vst v36  }
0x94: {  	[tilespmem:s0+$0x20] =	vst v37  }
0x95: {  	s6 =	sand.u32 $0x3, s24;
	[tilespmem:s0+$0x30] =	vst v38  }
0x96: {  	s2 =	sshll.u32 s6, $0x8;
	[tilespmem:s0+$0x40] =	vst v34  }
0x97: {  	s2 =	sadd.s32 s29, s2;
	[tilespmem:s0+$0x50] =	vst v39  }
0x98: {  	s2 =	sadd.s32 $0x100, s2;
	[tilespmem:s0+$0x60] =	vst v40;
	v39 =	vmov s25  }
0x99: {  	s6 =	sor.u32 $0x400, s2;
	[tilespmem:s0+$0x70] =	vst v41;
	v40 =	vshll.u32 v39, $0x8  }
0x9a: {  	[tilespmem:s6+$0xE100] =	vst v42;
	s6 =	sor.u32 $0x410, s2;
	v34 =	vshll.u32 v39, $0x7;
	v35 =	vand.u32 $0x7800, v40  }
0x9b: {  	[tilespmem:s6+$0xE100] =	vst v43;
	s6 =	sor.u32 $0x420, s2;
	v34 =	vand.u32 $0x380, v34;
	v41 =	vadd.s32 v1, v35  }
0x9c: {  	[tilespmem:s6+$0xE100] =	vst v59;
	s6 =	sor.u32 $0x430, s2;
	v43 =	vadd.s32 v3, v35;
	v42 =	vor.u32 v34, v41  }
0x9d: {  	v44 =	vadd.s32 v5, v35;
	[tilespmem:s6+$0xE100] =	vst v60;
	s6 =	sor.u32 $0x440, s2;
	v36 =	vor.u32 v34, v43;
	v33 =	vor.u32 v0, v42  }
0x9e: {  	v45 =	vadd.s32 v7, v35;
	v37 =	vor.u32 v34, v44;
	[tilespmem:s6+$0xE100] =	vst v61;
	s6 =	sor.u32 $0x450, s2;
	v36 =	vor.u32 v2, v36  }
0x9f: {  	v46 =	vadd.s32 v9, v35;
	v38 =	vor.u32 v34, v45;
	v37 =	vor.u32 v4, v37;
	[tilespmem:s6+$0xE100] =	vst v62;
	s6 =	sor.u32 $0x460, s2  }
0xa0: {  	v47 =	vadd.s32 v11, v35;
	v39 =	vor.u32 v34, v46;
	v38 =	vor.u32 v6, v38;
	s2 =	sor.u32 $0x470, s2;
	[tilespmem:s6+$0xE100] =	vst v63  }
0xa1: {  	v50 =	vadd.s32 v13, v35;
	v49 =	vor.u32 v34, v47;
	v48 =	vor.u32 v8, v39;
	[tilespmem:s2+$0xE100] =	vst v32  }
0xa2: {  	v51 =	vadd.s32 v15, v35;
	v40 =	vor.u32 v34, v50;
	v39 =	vor.u32 v10, v49;
	v33 =	vld.idx.msk [tilespmem:v33+s14+$0x0], $0xffff  }
0xa3: {  	v53 =	vadd.s32 v19, v35;
	v41 =	vor.u32 v34, v51;
	v40 =	vor.u32 v12, v40;
	v36 =	vld.idx.msk [tilespmem:v36+s14+$0x0], $0xffff  }
0xa4: {  	v54 =	vadd.s32 v21, v35;
	v43 =	vor.u32 v34, v53;
	v41 =	vor.u32 v14, v41;
	v37 =	vld.idx.msk [tilespmem:v37+s14+$0x0], $0xffff  }
0xa5: {  	v55 =	vadd.s32 v23, v35;
	v44 =	vor.u32 v34, v54;
	v43 =	vor.u32 v18, v43;
	v38 =	vld.idx.msk [tilespmem:v38+s14+$0x0], $0xffff  }
0xa6: {  	v56 =	vadd.s32 v25, v35;
	v45 =	vor.u32 v34, v55;
	v44 =	vor.u32 v20, v44;
	v32 =	vld.idx.msk [tilespmem:v48+s14+$0x0], $0xffff  }
0xa7: {  	v57 =	vadd.s32 v27, v35;
	v46 =	vor.u32 v34, v56;
	v45 =	vor.u32 v22, v45;
	v39 =	vld.idx.msk [tilespmem:v39+s14+$0x0], $0xffff  }
0xa8: {  	v52 =	vadd.s32 v17, v35;
	v47 =	vor.u32 v34, v57;
	v46 =	vor.u32 v24, v46;
	v40 =	vld.idx.msk [tilespmem:v40+s14+$0x0], $0xffff  }
0xa9: {  	v58 =	vadd.s32 v29, v35;
	v42 =	vor.u32 v34, v52;
	v47 =	vor.u32 v26, v47;
	v41 =	vld.idx.msk [tilespmem:v41+s14+$0x0], $0xffff  }
0xaa: {  	v35 =	vadd.s32 v31, v35;
	v42 =	vor.u32 v16, v42;
	v48 =	vor.u32 v34, v58;
	v43 =	vld.idx.msk [tilespmem:v43+s14+$0x0], $0xffff  }
0xab: {  	v34 =	vor.u32 v34, v35;
	v59 =	vld.idx.msk [tilespmem:v44+s14+$0x0], $0xffff;
	v48 =	vor.u32 v28, v48  }
0xac: {  	v60 =	vld.idx.msk [tilespmem:v45+s14+$0x0], $0xffff;
	v34 =	vor.u32 v30, v34  }
0xad: {  	v61 =	vld.idx.msk [tilespmem:v46+s14+$0x0], $0xffff  }
0xae: {  	s6 =	sadd.s32 $0x180, s28;
	v62 =	vld.idx.msk [tilespmem:v47+s14+$0x0], $0xffff  }
0xaf: {  	s0 =	sand.u32 $0x380, s6;
	v42 =	vld.idx.msk [tilespmem:v42+s14+$0x0], $0xffff  }
0xb0: {  	s0 =	sadd.s32 s0, s30;
	v63 =	vld.idx.msk [tilespmem:v48+s14+$0x0], $0xffff  }
0xb1: {  	v34 =	vld.idx.msk [tilespmem:v34+s14+$0x0], $0xffff;
	[tilespmem:s0+$0x0] =	vst v33  }
0xb2: {  	[tilespmem:s0+$0x10] =	vst v36  }
0xb3: {  	[tilespmem:s0+$0x20] =	vst v37  }
0xb4: {  	[tilespmem:s0+$0x30] =	vst v38  }
0xb5: {  	[tilespmem:s0+$0x40] =	vst v32  }
0xb6: {  	[tilespmem:s0+$0x50] =	vst v39  }
0xb7: {  	s2 =	sadd.s32 $0x180, s31;
	[tilespmem:s0+$0x60] =	vst v40  }
0xb8: {  	s31 =	sor.u32 $0x400, s2;
	[tilespmem:s0+$0x70] =	vst v41  }
0xb9: {  	s6 =	sor.u32 $0x410, s2;
	[tilespmem:s31+$0xE100] =	vst v42  }
0xba: {  	s30 =	sor.u32 $0x420, s2;
	[tilespmem:s6+$0xE100] =	vst v43  }
0xbb: {  	p2 =	sne.s32 s29, $0x6C00;
	s31 =	sor.u32 $0x430, s2;
	[tilespmem:s30+$0xE100] =	vst v59  }
.Ltmp2:
0xbc: {  	s6 =	sor.u32 $0x440, s2;
	[tilespmem:s31+$0xE100] =	vst v60;
	(pc) =	sbr.rel @p2 .LBB2_3-.Ltmp2, $4  }
0xbd: {  	s30 =	sor.u32 $0x450, s2;
	[tilespmem:s6+$0xE100] =	vst v61  }
0xbe: {  	p1 =	por !p1, !p1;
	s31 =	sor.u32 $0x460, s2;
	[tilespmem:s30+$0xE100] =	vst v62  }
0xbf: {  	s26 =	sadd.s32 $0x4, s26;
	s24 =	sadd.s32 $0x2, s24;
	s2 =	sor.u32 $0x470, s2;
	[tilespmem:s31+$0xE100] =	vst v63  }
0xc0: {  	s29 =	sadd.s32 $0x400, s29;
	s25 =	sadd.s32 $0x4, s25;
	s28 =	sadd.s32 $0x200, s28;
	[tilespmem:s2+$0xE100] =	vst v34  }
0xc1: {  	s24 =	smul.u32 $0xE0, s23;
	p1 =	sne.s32 s23, $0x1B  }
.Ltmp3:
0xc2: {  	_ = 	snop;
	(pc) =	sbr.rel @p1 .LBB2_6-.Ltmp3, $4  }
0xc3: {  	s0 =	sadd.s32 s5, s24  }
0xc4: {  	s0 =	sshll.u32 s0, $0x5  }
0xc5: {  	s0 =	sadd.s32 s3, s0  }
0xc6: {  	[hbm4b:s0+s4] =	stream.linear.scatter [tilespmem:s17], [sflag:$0x3], $0x7000, $0x38;
	[tilespmem:$0x1C100] =	vst v63  }
.Ltmp4:
0xc7: {  	(pc) =	sbr.rel .LBB2_7-.Ltmp4, $4  }
0xc8: {  	_ = 	snop  }
0xc9: {  	_ =	swait.ge [sflag:s18], $0x7000  }
0xca: {  	[sflag:s18] =	ssyncset.done $0x0  }
0xcb: {  	[sflag:s18] =	ssyncadd.s32 $0xFFFF9000  }
.LBB2_6:
0xcc: {  	s0 =	sadd.s32 s24, s9  }
0xcd: {  	s0 =	sshll.u32 s0, $0x5  }
.Ltmp5:
0xce: {  	s0 =	sadd.s32 s1, s0;
	(pc) =	sbr.rel @p0 .LBB2_8-.Ltmp5, $4  }
0xcf: {  	[tilespmem:s14], [sflag:$0x1] =	stream.linear.gather [hbm4b:s0+s4], $0x7000, $0x38;
	[tilespmem:$0x1C100] =	vst v63  }
0xd0: {  	_ =	swait.ge [sflag:s18], $0x7000  }
0xd1: {  	[sflag:s18] =	ssyncset.done $0x0  }
0xd2: {  	[sflag:s18] =	ssyncadd.s32 $0xFFFF9000  }
.LBB2_7:
0xd3: {  	_ =	swait.ge [sflag:s19], $0x7000  }
0xd4: {  	[sflag:s19] =	ssyncset.done $0x0  }
0xd5: {  	[sflag:s19] =	ssyncadd.s32 $0xFFFF9000  }
.LBB2_8:
0xd6: {  	s25 =	simm.s32 $0x7000  }
0xd7: {  	s26 =	simm.s32 $0x0;
	p0 =	por $0x0, $0x0;
	s28 =	simm.s32 $0x70  }
.LBB2_9:
0xd8: {  	v32 =	vmov s28  }
0xd9: {  	v33 =	vshll.u32 v32, $0x8  }
0xda: {  	v32 =	vshll.u32 v32, $0x7;
	v33 =	vand.u32 $0xF800, v33  }
0xdb: {  	v32 =	vand.u32 $0x200, v32;
	v34 =	vadd.s32 v1, v33  }
0xdc: {  	v35 =	vadd.s32 v3, v33;
	v34 =	vor.u32 v32, v34  }
0xdd: {  	v36 =	vadd.s32 v5, v33;
	v35 =	vor.u32 v32, v35;
	v34 =	vor.u32 v0, v34  }
0xde: {  	v37 =	vadd.s32 v7, v33;
	v36 =	vor.u32 v32, v36;
	v35 =	vor.u32 v2, v35  }
0xdf: {  	v38 =	vadd.s32 v9, v33;
	v37 =	vor.u32 v32, v37;
	v36 =	vor.u32 v4, v36  }
0xe0: {  	v39 =	vadd.s32 v11, v33;
	v38 =	vor.u32 v32, v38;
	v37 =	vor.u32 v6, v37  }
0xe1: {  	v40 =	vadd.s32 v13, v33;
	v39 =	vor.u32 v32, v39;
	v38 =	vor.u32 v8, v38  }
0xe2: {  	v41 =	vadd.s32 v15, v33;
	v40 =	vor.u32 v32, v40;
	v39 =	vor.u32 v10, v39;
	v34 =	vld.idx.msk [tilespmem:v34+s14+$0x0], $0xffff  }
0xe3: {  	v42 =	vadd.s32 v17, v33;
	v41 =	vor.u32 v32, v41;
	v40 =	vor.u32 v12, v40;
	v35 =	vld.idx.msk [tilespmem:v35+s14+$0x0], $0xffff  }
0xe4: {  	v43 =	vadd.s32 v19, v33;
	v42 =	vor.u32 v32, v42;
	v41 =	vor.u32 v14, v41;
	v36 =	vld.idx.msk [tilespmem:v36+s14+$0x0], $0xffff  }
0xe5: {  	v44 =	vadd.s32 v21, v33;
	v43 =	vor.u32 v32, v43;
	v42 =	vor.u32 v16, v42;
	v37 =	vld.idx.msk [tilespmem:v37+s14+$0x0], $0xffff  }
0xe6: {  	v45 =	vadd.s32 v23, v33;
	v44 =	vor.u32 v32, v44;
	v43 =	vor.u32 v18, v43;
	v38 =	vld.idx.msk [tilespmem:v38+s14+$0x0], $0xffff  }
0xe7: {  	v46 =	vadd.s32 v25, v33;
	v45 =	vor.u32 v32, v45;
	v44 =	vor.u32 v20, v44;
	v39 =	vld.idx.msk [tilespmem:v39+s14+$0x0], $0xffff  }
0xe8: {  	v47 =	vadd.s32 v27, v33;
	v46 =	vor.u32 v32, v46;
	v45 =	vor.u32 v22, v45;
	v40 =	vld.idx.msk [tilespmem:v40+s14+$0x0], $0xffff  }
0xe9: {  	v48 =	vadd.s32 v29, v33;
	v47 =	vor.u32 v32, v47;
	v46 =	vor.u32 v24, v46;
	v41 =	vld.idx.msk [tilespmem:v41+s14+$0x0], $0xffff  }
0xea: {  	v33 =	vadd.s32 v31, v33;
	v48 =	vor.u32 v32, v48;
	v47 =	vor.u32 v26, v47;
	v42 =	vld.idx.msk [tilespmem:v42+s14+$0x0], $0xffff  }
0xeb: {  	v32 =	vor.u32 v32, v33;
	v48 =	vor.u32 v28, v48;
	v43 =	vld.idx.msk [tilespmem:v43+s14+$0x0], $0xffff  }
0xec: {  	v32 =	vor.u32 v30, v32;
	v59 =	vld.idx.msk [tilespmem:v44+s14+$0x0], $0xffff  }
0xed: {  	v60 =	vld.idx.msk [tilespmem:v45+s14+$0x0], $0xffff  }
0xee: {  	v61 =	vld.idx.msk [tilespmem:v46+s14+$0x0], $0xffff  }
0xef: {  	s0 =	sand.u32 $0xF800, s25;
	s2 =	sand.u32 $0x200, s26;
	v62 =	vld.idx.msk [tilespmem:v47+s14+$0x0], $0xffff  }
0xf0: {  	s0 =	sor.u32 s2, s0;
	v63 =	vld.idx.msk [tilespmem:v48+s14+$0x0], $0xffff  }
0xf1: {  	v32 =	vld.idx.msk [tilespmem:v32+s14+$0x0], $0xffff;
	[tilespmem:s0+$0xE100] =	vst v34  }
0xf2: {  	[tilespmem:s0+$0xE110] =	vst v35  }
0xf3: {  	[tilespmem:s0+$0xE120] =	vst v36  }
0xf4: {  	s2 =	simm.s32 $0x1;
	[tilespmem:s0+$0xE130] =	vst v37  }
0xf5: {  	s2 =	simm.s32 @!p0 $0x0;
	[tilespmem:s0+$0xE140] =	vst v38  }
0xf6: {  	s6 =	sadd.s32 $0x1, s28;
	s2 =	sshll.u32 s2, $0x9;
	[tilespmem:s0+$0xE150] =	vst v39  }
0xf7: {  	s2 =	sadd.s32 s25, s2;
	[tilespmem:s0+$0xE160] =	vst v40;
	v39 =	vmov s6  }
0xf8: {  	s29 =	sor.u32 $0x400, s2;
	[tilespmem:s0+$0xE170] =	vst v41;
	v40 =	vshll.u32 v39, $0x8  }
0xf9: {  	s30 =	sor.u32 $0x410, s2;
	[tilespmem:s29+$0xE100] =	vst v42;
	v34 =	vshll.u32 v39, $0x7;
	v35 =	vand.u32 $0xF800, v40  }
0xfa: {  	s31 =	sor.u32 $0x420, s2;
	[tilespmem:s30+$0xE100] =	vst v43;
	v34 =	vand.u32 $0x280, v34;
	v41 =	vadd.s32 v1, v35  }
0xfb: {  	s6 =	sor.u32 $0x430, s2;
	[tilespmem:s31+$0xE100] =	vst v59;
	v43 =	vadd.s32 v3, v35;
	v42 =	vor.u32 v34, v41  }
0xfc: {  	s29 =	sor.u32 $0x440, s2;
	v44 =	vadd.s32 v5, v35;
	[tilespmem:s6+$0xE100] =	vst v60;
	v36 =	vor.u32 v34, v43;
	v33 =	vor.u32 v0, v42  }
0xfd: {  	s30 =	sor.u32 $0x450, s2;
	v45 =	vadd.s32 v7, v35;
	v37 =	vor.u32 v34, v44;
	[tilespmem:s29+$0xE100] =	vst v61;
	v36 =	vor.u32 v2, v36  }
0xfe: {  	s31 =	sor.u32 $0x460, s2;
	v46 =	vadd.s32 v9, v35;
	v38 =	vor.u32 v34, v45;
	v37 =	vor.u32 v4, v37;
	[tilespmem:s30+$0xE100] =	vst v62  }
0xff: {  	v47 =	vadd.s32 v11, v35;
	s6 =	sor.u32 $0x470, s2;
	v39 =	vor.u32 v34, v46;
	v38 =	vor.u32 v6, v38;
	[tilespmem:s31+$0xE100] =	vst v63  }
0x100: {  	v50 =	vadd.s32 v13, v35;
	v49 =	vor.u32 v34, v47;
	v48 =	vor.u32 v8, v39;
	[tilespmem:s6+$0xE100] =	vst v32  }
0x101: {  	v51 =	vadd.s32 v15, v35;
	v40 =	vor.u32 v34, v50;
	v39 =	vor.u32 v10, v49;
	v33 =	vld.idx.msk [tilespmem:v33+s14+$0x0], $0xffff  }
0x102: {  	v53 =	vadd.s32 v19, v35;
	v41 =	vor.u32 v34, v51;
	v40 =	vor.u32 v12, v40;
	v36 =	vld.idx.msk [tilespmem:v36+s14+$0x0], $0xffff  }
0x103: {  	v54 =	vadd.s32 v21, v35;
	v43 =	vor.u32 v34, v53;
	v41 =	vor.u32 v14, v41;
	v37 =	vld.idx.msk [tilespmem:v37+s14+$0x0], $0xffff  }
0x104: {  	v55 =	vadd.s32 v23, v35;
	v44 =	vor.u32 v34, v54;
	v43 =	vor.u32 v18, v43;
	v38 =	vld.idx.msk [tilespmem:v38+s14+$0x0], $0xffff  }
0x105: {  	v56 =	vadd.s32 v25, v35;
	v45 =	vor.u32 v34, v55;
	v44 =	vor.u32 v20, v44;
	v32 =	vld.idx.msk [tilespmem:v48+s14+$0x0], $0xffff  }
0x106: {  	v57 =	vadd.s32 v27, v35;
	v46 =	vor.u32 v34, v56;
	v45 =	vor.u32 v22, v45;
	v39 =	vld.idx.msk [tilespmem:v39+s14+$0x0], $0xffff  }
0x107: {  	v52 =	vadd.s32 v17, v35;
	v47 =	vor.u32 v34, v57;
	v46 =	vor.u32 v24, v46;
	v40 =	vld.idx.msk [tilespmem:v40+s14+$0x0], $0xffff  }
0x108: {  	v58 =	vadd.s32 v29, v35;
	v42 =	vor.u32 v34, v52;
	v47 =	vor.u32 v26, v47;
	v41 =	vld.idx.msk [tilespmem:v41+s14+$0x0], $0xffff  }
0x109: {  	v35 =	vadd.s32 v31, v35;
	v42 =	vor.u32 v16, v42;
	v48 =	vor.u32 v34, v58;
	v43 =	vld.idx.msk [tilespmem:v43+s14+$0x0], $0xffff  }
0x10a: {  	v34 =	vor.u32 v34, v35;
	v59 =	vld.idx.msk [tilespmem:v44+s14+$0x0], $0xffff;
	v48 =	vor.u32 v28, v48  }
0x10b: {  	v60 =	vld.idx.msk [tilespmem:v45+s14+$0x0], $0xffff;
	v34 =	vor.u32 v30, v34  }
0x10c: {  	v61 =	vld.idx.msk [tilespmem:v46+s14+$0x0], $0xffff  }
0x10d: {  	s29 =	sadd.s32 $0x100, s25;
	s30 =	sadd.s32 $0x3880, s26;
	v62 =	vld.idx.msk [tilespmem:v47+s14+$0x0], $0xffff  }
0x10e: {  	s0 =	sand.u32 $0xF800, s29;
	s2 =	sand.u32 $0x280, s30;
	v42 =	vld.idx.msk [tilespmem:v42+s14+$0x0], $0xffff  }
0x10f: {  	s0 =	sor.u32 s2, s0;
	v63 =	vld.idx.msk [tilespmem:v48+s14+$0x0], $0xffff  }
0x110: {  	v34 =	vld.idx.msk [tilespmem:v34+s14+$0x0], $0xffff;
	[tilespmem:s0+$0xE100] =	vst v33  }
0x111: {  	[tilespmem:s0+$0xE110] =	vst v36  }
0x112: {  	[tilespmem:s0+$0xE120] =	vst v37  }
0x113: {  	[tilespmem:s0+$0xE130] =	vst v38  }
0x114: {  	[tilespmem:s0+$0xE140] =	vst v32  }
0x115: {  	s31 =	sadd.s32 $0x2, s28;
	[tilespmem:s0+$0xE150] =	vst v39  }
0x116: {  	[tilespmem:s0+$0xE160] =	vst v40;
	v39 =	vmov s31  }
0x117: {  	[tilespmem:s0+$0xE170] =	vst v41;
	v40 =	vshll.u32 v39, $0x8  }
0x118: {  	[tilespmem:s0+$0xE500] =	vst v42;
	v32 =	vshll.u32 v39, $0x7;
	v33 =	vand.u32 $0xF800, v40  }
0x119: {  	[tilespmem:s0+$0xE510] =	vst v43;
	v32 =	vand.u32 $0x300, v32;
	v41 =	vadd.s32 v1, v33  }
0x11a: {  	[tilespmem:s0+$0xE520] =	vst v59;
	v43 =	vadd.s32 v3, v33;
	v42 =	vor.u32 v32, v41  }
0x11b: {  	[tilespmem:s0+$0xE530] =	vst v60;
	v44 =	vadd.s32 v5, v33;
	v36 =	vor.u32 v32, v43;
	v35 =	vor.u32 v0, v42  }
0x11c: {  	[tilespmem:s0+$0xE540] =	vst v61;
	v45 =	vadd.s32 v7, v33;
	v37 =	vor.u32 v32, v44;
	v36 =	vor.u32 v2, v36  }
0x11d: {  	[tilespmem:s0+$0xE550] =	vst v62;
	v46 =	vadd.s32 v9, v33;
	v38 =	vor.u32 v32, v45;
	v37 =	vor.u32 v4, v37  }
0x11e: {  	v47 =	vadd.s32 v11, v33;
	v39 =	vor.u32 v32, v46;
	[tilespmem:s0+$0xE560] =	vst v63;
	v38 =	vor.u32 v6, v38  }
0x11f: {  	v50 =	vadd.s32 v13, v33;
	v49 =	vor.u32 v32, v47;
	[tilespmem:s0+$0xE570] =	vst v34;
	v48 =	vor.u32 v8, v39  }
0x120: {  	v51 =	vadd.s32 v15, v33;
	v40 =	vor.u32 v32, v50;
	v39 =	vor.u32 v10, v49;
	v35 =	vld.idx.msk [tilespmem:v35+s14+$0x0], $0xffff  }
0x121: {  	v53 =	vadd.s32 v19, v33;
	v41 =	vor.u32 v32, v51;
	v40 =	vor.u32 v12, v40;
	v36 =	vld.idx.msk [tilespmem:v36+s14+$0x0], $0xffff  }
0x122: {  	v54 =	vadd.s32 v21, v33;
	v43 =	vor.u32 v32, v53;
	v41 =	vor.u32 v14, v41;
	v37 =	vld.idx.msk [tilespmem:v37+s14+$0x0], $0xffff  }
0x123: {  	v55 =	vadd.s32 v23, v33;
	v44 =	vor.u32 v32, v54;
	v43 =	vor.u32 v18, v43;
	v38 =	vld.idx.msk [tilespmem:v38+s14+$0x0], $0xffff  }
0x124: {  	v56 =	vadd.s32 v25, v33;
	v45 =	vor.u32 v32, v55;
	v44 =	vor.u32 v20, v44;
	v34 =	vld.idx.msk [tilespmem:v48+s14+$0x0], $0xffff  }
0x125: {  	v57 =	vadd.s32 v27, v33;
	v46 =	vor.u32 v32, v56;
	v45 =	vor.u32 v22, v45;
	v39 =	vld.idx.msk [tilespmem:v39+s14+$0x0], $0xffff  }
0x126: {  	v52 =	vadd.s32 v17, v33;
	v47 =	vor.u32 v32, v57;
	v46 =	vor.u32 v24, v46;
	v40 =	vld.idx.msk [tilespmem:v40+s14+$0x0], $0xffff  }
0x127: {  	v58 =	vadd.s32 v29, v33;
	v42 =	vor.u32 v32, v52;
	v47 =	vor.u32 v26, v47;
	v41 =	vld.idx.msk [tilespmem:v41+s14+$0x0], $0xffff  }
0x128: {  	v33 =	vadd.s32 v31, v33;
	v42 =	vor.u32 v16, v42;
	v48 =	vor.u32 v32, v58;
	v43 =	vld.idx.msk [tilespmem:v43+s14+$0x0], $0xffff  }
0x129: {  	v32 =	vor.u32 v32, v33;
	v59 =	vld.idx.msk [tilespmem:v44+s14+$0x0], $0xffff;
	v48 =	vor.u32 v28, v48  }
0x12a: {  	v60 =	vld.idx.msk [tilespmem:v45+s14+$0x0], $0xffff;
	v32 =	vor.u32 v30, v32  }
0x12b: {  	v61 =	vld.idx.msk [tilespmem:v46+s14+$0x0], $0xffff  }
0x12c: {  	s2 =	sadd.s32 $0x200, s25;
	s6 =	sadd.s32 $0x3900, s26;
	v62 =	vld.idx.msk [tilespmem:v47+s14+$0x0], $0xffff  }
0x12d: {  	s0 =	sand.u32 $0xF800, s2;
	s2 =	sand.u32 $0x300, s6;
	v42 =	vld.idx.msk [tilespmem:v42+s14+$0x0], $0xffff  }
0x12e: {  	s0 =	sor.u32 s2, s0;
	v63 =	vld.idx.msk [tilespmem:v48+s14+$0x0], $0xffff  }
0x12f: {  	v32 =	vld.idx.msk [tilespmem:v32+s14+$0x0], $0xffff;
	[tilespmem:s0+$0xE100] =	vst v35  }
0x130: {  	[tilespmem:s0+$0xE110] =	vst v36  }
0x131: {  	[tilespmem:s0+$0xE120] =	vst v37  }
0x132: {  	[tilespmem:s0+$0xE130] =	vst v38  }
0x133: {  	[tilespmem:s0+$0xE140] =	vst v34  }
0x134: {  	s29 =	sadd.s32 $0x3, s28;
	[tilespmem:s0+$0xE150] =	vst v39  }
0x135: {  	[tilespmem:s0+$0xE160] =	vst v40;
	v39 =	vmov s29  }
0x136: {  	[tilespmem:s0+$0xE170] =	vst v41;
	v40 =	vshll.u32 v39, $0x8  }
0x137: {  	[tilespmem:s0+$0xE500] =	vst v42;
	v34 =	vshll.u32 v39, $0x7;
	v35 =	vand.u32 $0xF800, v40  }
0x138: {  	[tilespmem:s0+$0xE510] =	vst v43;
	v34 =	vand.u32 $0x380, v34;
	v41 =	vadd.s32 v1, v35  }
0x139: {  	[tilespmem:s0+$0xE520] =	vst v59;
	v43 =	vadd.s32 v3, v35;
	v42 =	vor.u32 v34, v41  }
0x13a: {  	[tilespmem:s0+$0xE530] =	vst v60;
	v44 =	vadd.s32 v5, v35;
	v36 =	vor.u32 v34, v43;
	v33 =	vor.u32 v0, v42  }
0x13b: {  	[tilespmem:s0+$0xE540] =	vst v61;
	v45 =	vadd.s32 v7, v35;
	v37 =	vor.u32 v34, v44;
	v36 =	vor.u32 v2, v36  }
0x13c: {  	[tilespmem:s0+$0xE550] =	vst v62;
	v46 =	vadd.s32 v9, v35;
	v38 =	vor.u32 v34, v45;
	v37 =	vor.u32 v4, v37  }
0x13d: {  	v47 =	vadd.s32 v11, v35;
	v39 =	vor.u32 v34, v46;
	[tilespmem:s0+$0xE560] =	vst v63;
	v38 =	vor.u32 v6, v38  }
0x13e: {  	v50 =	vadd.s32 v13, v35;
	v49 =	vor.u32 v34, v47;
	[tilespmem:s0+$0xE570] =	vst v32;
	v48 =	vor.u32 v8, v39  }
0x13f: {  	v51 =	vadd.s32 v15, v35;
	v40 =	vor.u32 v34, v50;
	v39 =	vor.u32 v10, v49;
	v33 =	vld.idx.msk [tilespmem:v33+s14+$0x0], $0xffff  }
0x140: {  	v53 =	vadd.s32 v19, v35;
	v41 =	vor.u32 v34, v51;
	v40 =	vor.u32 v12, v40;
	v36 =	vld.idx.msk [tilespmem:v36+s14+$0x0], $0xffff  }
0x141: {  	v54 =	vadd.s32 v21, v35;
	v43 =	vor.u32 v34, v53;
	v41 =	vor.u32 v14, v41;
	v37 =	vld.idx.msk [tilespmem:v37+s14+$0x0], $0xffff  }
0x142: {  	v55 =	vadd.s32 v23, v35;
	v44 =	vor.u32 v34, v54;
	v43 =	vor.u32 v18, v43;
	v38 =	vld.idx.msk [tilespmem:v38+s14+$0x0], $0xffff  }
0x143: {  	v56 =	vadd.s32 v25, v35;
	v45 =	vor.u32 v34, v55;
	v44 =	vor.u32 v20, v44;
	v32 =	vld.idx.msk [tilespmem:v48+s14+$0x0], $0xffff  }
0x144: {  	v57 =	vadd.s32 v27, v35;
	v46 =	vor.u32 v34, v56;
	v45 =	vor.u32 v22, v45;
	v39 =	vld.idx.msk [tilespmem:v39+s14+$0x0], $0xffff  }
0x145: {  	v52 =	vadd.s32 v17, v35;
	v47 =	vor.u32 v34, v57;
	v46 =	vor.u32 v24, v46;
	v40 =	vld.idx.msk [tilespmem:v40+s14+$0x0], $0xffff  }
0x146: {  	v58 =	vadd.s32 v29, v35;
	v42 =	vor.u32 v34, v52;
	v47 =	vor.u32 v26, v47;
	v41 =	vld.idx.msk [tilespmem:v41+s14+$0x0], $0xffff  }
0x147: {  	v35 =	vadd.s32 v31, v35;
	v42 =	vor.u32 v16, v42;
	v48 =	vor.u32 v34, v58;
	v43 =	vld.idx.msk [tilespmem:v43+s14+$0x0], $0xffff  }
0x148: {  	v34 =	vor.u32 v34, v35;
	v59 =	vld.idx.msk [tilespmem:v44+s14+$0x0], $0xffff;
	v48 =	vor.u32 v28, v48  }
0x149: {  	v60 =	vld.idx.msk [tilespmem:v45+s14+$0x0], $0xffff;
	v34 =	vor.u32 v30, v34  }
0x14a: {  	v61 =	vld.idx.msk [tilespmem:v46+s14+$0x0], $0xffff  }
0x14b: {  	s30 =	sadd.s32 $0x300, s25;
	s31 =	sadd.s32 $0x3980, s26;
	v62 =	vld.idx.msk [tilespmem:v47+s14+$0x0], $0xffff  }
0x14c: {  	s2 =	sand.u32 $0x380, s31;
	s0 =	sand.u32 $0xF800, s30;
	v42 =	vld.idx.msk [tilespmem:v42+s14+$0x0], $0xffff  }
0x14d: {  	s0 =	sor.u32 s2, s0;
	v63 =	vld.idx.msk [tilespmem:v48+s14+$0x0], $0xffff  }
0x14e: {  	v34 =	vld.idx.msk [tilespmem:v34+s14+$0x0], $0xffff;
	[tilespmem:s0+$0xE100] =	vst v33  }
0x14f: {  	[tilespmem:s0+$0xE110] =	vst v36  }
0x150: {  	[tilespmem:s0+$0xE120] =	vst v37  }
0x151: {  	[tilespmem:s0+$0xE130] =	vst v38  }
0x152: {  	[tilespmem:s0+$0xE140] =	vst v32  }
0x153: {  	[tilespmem:s0+$0xE150] =	vst v39  }
0x154: {  	[tilespmem:s0+$0xE160] =	vst v40  }
0x155: {  	[tilespmem:s0+$0xE170] =	vst v41  }
0x156: {  	[tilespmem:s0+$0xE500] =	vst v42  }
0x157: {  	[tilespmem:s0+$0xE510] =	vst v43  }
0x158: {  	p1 =	sne.s32 s25, $0xDC00;
	[tilespmem:s0+$0xE520] =	vst v59  }
.Ltmp6:
0x159: {  	[tilespmem:s0+$0xE530] =	vst v60;
	(pc) =	sbr.rel @p1 .LBB2_9-.Ltmp6, $4  }
0x15a: {  	[tilespmem:s0+$0xE540] =	vst v61  }
0x15b: {  	[tilespmem:s0+$0xE550] =	vst v62  }
0x15c: {  	p0 =	por !p0, !p0;
	[tilespmem:s0+$0xE560] =	vst v63  }
0x15d: {  	s28 =	sadd.s32 $0x4, s28;
	s25 =	sadd.s32 $0x400, s25;
	s26 =	sadd.s32 $0x200, s26;
	[tilespmem:s0+$0xE570] =	vst v34  }
0x15e: {  	p0 =	seq.s32 s23, $0x1B  }
.Ltmp7:
0x15f: {  	_ = 	snop;
	(pc) =	sbr.rel @p0 .LBB2_12-.Ltmp7, $4  }
0x160: {  	s0 =	sadd.s32 s24, s10  }
0x161: {  	s0 =	sshll.u32 s0, $0x5  }
0x162: {  	s0 =	sadd.s32 s3, s0  }
0x163: {  	[hbm4b:s0+s4] =	stream.linear.scatter [tilespmem:s20], [sflag:$0x4], $0x7000, $0x38;
	[tilespmem:$0x1C100] =	vst v63  }
.Ltmp8:
0x164: {  	(pc) =	sbr.rel .LBB2_2-.Ltmp8, $4  }
0x165: {  	s0 =	sadd.s32 s24, s11  }
0x166: {  	s0 =	sshll.u32 s0, $0x5  }
0x167: {  	s23 =	sadd.s32 $0x1, s23;
	s0 =	sadd.s32 s1, s0  }
0x168: {  	[tilespmem:s15], [sflag:$0x2] =	stream.linear.gather [hbm4b:s0+s4], $0x7000, $0x38;
	[tilespmem:$0x1C100] =	vst v63  }
.LBB2_13:
0x169: {  	_ =	sfence.sel $0x180000  }
0x16a: {  	[bflag:$0x0] =	sbarrier.arrive $0xFFFF  }
0x16b: {  	_ =	strace $0x90000047  }
0x16c: {  	s0 =	stileid.u32;
	[bflag:$0x2] =	sbarrier.arrive $0xFFFF  }
0x16d: {  	p0 =	sne.s32 s0, $0x0;
	s0 =	rddreg [dreg:$0x3]  }
0x16e: {  	s0 =	sadd.s32 @!p0 $0x100000, s0  }
0x16f: {  	[sflag:s0] =	ssyncadd.tile.s32 @!p0 $0x1;
	_ =	shalt  }
.Lfunc_end2:
_tile_overlayer_lowered:
.L_overlay_start_2:
0x170: {  	(tag) =	ssettag $0x2  }
0x171: {  	s0 =	rddreg [dreg:$0x0];
	s2 =	stileid.u32  }
0x172: {  	s1 =	rddreg [dreg:$0x1];
	p0 =	sne.s32 s2, $0x0  }
0x173: {  	s3 =	rddreg [dreg:$0x2];
	[bflag:$0x3] =	sbarrier.arrive $0xFFFF;
	s2 =	simm.s32 @!p0 $0x1C05  }
0x174: {  	[timem:s3], [sflag:s2] =	dma.local @!p0 [hbm:s0], s1  }
0x175: {  	s0 =	simm.s32 @!p0 $0x5  }
0x176: {  	_ =	swait.ge @!p0 [sflag:s0], s1  }
0x177: {  	s1 =	ssub.s32 @!p0 $0x0, s1;
	[sflag:s0] =	ssyncset.done @!p0 $0x0  }
0x178: {  	[sflag:s0] =	ssyncadd.s32 @!p0 s1  }
0x179: {  	[bflag:$0x3] =	sbarrier.arrive $0xFFFF  }
0x17a: {  	_ =	shalt  }

</sc_bundles>
